<compile_context>
chip_gen: v7x
topology: tpu7x:2x2x1
jax: 0.10.2.dev20260603
libtpu: 0.0.44.dev20260713+nightly
codegen_flags: <defaults>
</compile_context>

<pallas_src>
import dataclasses
import functools

import jax
import jax.numpy as jnp
from jax import lax
from jax.experimental import pallas as pl
from jax.experimental.pallas import tpu as pltpu
from jax.experimental.pallas import tpu_sc as plsc

N_NODES = 10000
N_EDGES = 160000
IN_F = 256
H_F = 512
FB = 128

NC = 2
NS = 16
EPS_SC = N_EDGES // NS
CHUNK = 80
N_CHUNKS = EPS_SC // CHUNK
RPS = 624
RPS_TAIL = N_NODES - NS * RPS


def _make_sc_segsum(n_feat_chunks: int, with_deg: bool):
    mesh = plsc.VectorSubcoreMesh(core_axis_name="c", subcore_axis_name="s")
    cpc = n_feat_chunks // NC

    out_type = [jax.ShapeDtypeStruct((n_feat_chunks, N_NODES, FB), jnp.float32)]
    if with_deg:
        out_type.append(jax.ShapeDtypeStruct((NS * N_NODES,), jnp.float32))

    nbuf = 2
    scratch_types = (
        [pltpu.VMEM((EPS_SC,), jnp.int32),
         pltpu.VMEM((EPS_SC,), jnp.int32)]
        + [pltpu.VMEM((CHUNK, FB), jnp.float32) for _ in range(nbuf)]
        + [pltpu.VMEM((CHUNK,), jnp.int32) for _ in range(nbuf)]
        + [pltpu.VMEM_SHARED((N_NODES, FB), jnp.float32)]
        + [pltpu.SemaphoreType.DMA for _ in range(nbuf)]
        + [pltpu.SemaphoreType.DMA for _ in range(nbuf)]
    )
    if with_deg:
        scratch_types.append(pltpu.VMEM((N_NODES,), jnp.float32))

    cp = pltpu.CompilerParams()
    if with_deg and "needs_layout_passes" in pltpu.CompilerParams.__dataclass_fields__:
        cp = dataclasses.replace(cp, needs_layout_passes=False)

    @functools.partial(pl.kernel, out_type=out_type, mesh=mesh,
                       scratch_types=scratch_types, compiler_params=cp)
    def seg_kernel(*refs):
        n_in = 4
        n_out = 2 if with_deg else 1
        x_hbm, src_hbm, dst_hbm, z_hbm = refs[:n_in]
        out_hbm = refs[n_in]
        deg_hbm = refs[n_in + 1] if with_deg else None
        sc = list(refs[n_in + n_out:])
        idx_s, idx_d = sc[0], sc[1]
        rows = sc[2:2 + nbuf]
        sdx = sc[2 + nbuf:2 + 2 * nbuf]
        acc = sc[2 + 2 * nbuf]
        gsem = sc[3 + 2 * nbuf:3 + 3 * nbuf]
        ssem = sc[3 + 3 * nbuf:3 + 4 * nbuf]
        degbuf = sc[3 + 4 * nbuf] if with_deg else None

        c = lax.axis_index("c")
        s = lax.axis_index("s")
        r0 = s * RPS
        e0 = s * EPS_SC
        tail0 = NS * RPS

        def stripe_copy(mk_src, mk_dst):
            pltpu.sync_copy(mk_src(r0, RPS), mk_dst(r0, RPS))

            @pl.when(s == NS - 1)
            def _():
                pltpu.sync_copy(mk_src(tail0, RPS_TAIL), mk_dst(tail0, RPS_TAIL))

        if with_deg:
            @pl.loop(0, N_NODES // 16)
            def _(i):
                degbuf[pl.ds(i * 16, 16)] = jnp.zeros((16,), jnp.float32)

        pltpu.sync_copy(src_hbm.at[pl.ds(e0, EPS_SC)], idx_s)
        pltpu.sync_copy(dst_hbm.at[pl.ds(e0, EPS_SC)], idx_d)

        def start_gather(slot, ci, fc):
            pltpu.async_copy(x_hbm.at[fc].at[idx_s.at[pl.ds(ci * CHUNK, CHUNK)]],
                             rows[slot], gsem[slot])

        def wait_gather(slot, fc):
            pltpu.make_async_copy(x_hbm.at[fc].at[pl.ds(0, CHUNK)],
                                  rows[slot], gsem[slot]).wait()

        def stage_idx(slot, ci, do_deg):
            @pl.loop(0, CHUNK // 16)
            def _(j):
                idxv = idx_d[pl.ds(ci * CHUNK + j * 16, 16)]
                sdx[slot][pl.ds(j * 16, 16)] = idxv
                if do_deg:
                    plsc.addupdate_scatter(degbuf, [idxv],
                                           jnp.full((16,), 1.0, jnp.float32))

        def scatter(slot):
            pltpu.sync_copy(rows[slot], acc.at[sdx[slot]], add=True)

        for cc in range(cpc):
            fc = c * cpc + cc
            stripe_copy(lambda o, n: z_hbm.at[pl.ds(o, n)],
                        lambda o, n: acc.at[pl.ds(o, n)])
            plsc.subcore_barrier()

            do_deg = with_deg and cc == 0

            start_gather(0, 0, fc)

            @pl.loop(0, N_CHUNKS - 1, step=2)
            def _(ci):
                start_gather(1, ci + 1, fc)
                stage_idx(0, ci, do_deg)
                wait_gather(0, fc)
                scatter(0)
                start_gather(0, ci + 2, fc)
                stage_idx(1, ci + 1, do_deg)
                wait_gather(1, fc)
                scatter(1)

            stage_idx(0, N_CHUNKS - 1, do_deg)
            wait_gather(0, fc)
            scatter(0)

            plsc.subcore_barrier()
            stripe_copy(lambda o, n: acc.at[pl.ds(o, n)],
                        lambda o, n: out_hbm.at[fc].at[pl.ds(o, n)])
            if do_deg:
                @pl.when(c == 0)
                def _():
                    pltpu.sync_copy(degbuf, deg_hbm.at[pl.ds(s * N_NODES, N_NODES)])
            if cc + 1 < cpc:
                plsc.subcore_barrier()

    return seg_kernel


_sc_segsum_l1 = _make_sc_segsum(2, with_deg=True)
_sc_segsum_l2 = _make_sc_segsum(4, with_deg=False)

_BN = 1000


def _tc_layer1(x, s1p, deg, w1, b1):
    def body(x_ref, s_ref, deg_ref, w_ref, b_ref, out_ref):
        deg = jnp.sum(deg_ref[0], axis=0)[:, None]
        inv = 1.0 / jnp.maximum(deg, 1.0)
        agg = jnp.concatenate([s_ref[0], s_ref[1]], axis=-1) * inv
        h = jnp.dot((x_ref[...] + agg).astype(jnp.bfloat16),
                    w_ref[...].astype(jnp.bfloat16),
                    preferred_element_type=jnp.float32)
        h = jnp.maximum(h + b_ref[...], 0.0)
        for ch in range(4):
            out_ref[ch] = h[:, ch * FB:(ch + 1) * FB]

    return pl.pallas_call(
        body,
        grid=(N_NODES // _BN,),
        in_specs=[
            pl.BlockSpec((_BN, IN_F), lambda i: (i, 0)),
            pl.BlockSpec((2, _BN, FB), lambda i: (0, i, 0)),
            pl.BlockSpec((1, NS, _BN), lambda i: (i, 0, 0)),
            pl.BlockSpec((IN_F, H_F), lambda i: (0, 0)),
            pl.BlockSpec((1, H_F), lambda i: (0, 0)),
        ],
        out_specs=pl.BlockSpec((4, _BN, FB), lambda i: (0, i, 0)),
        out_shape=jax.ShapeDtypeStruct((4, N_NODES, FB), jnp.float32),
    )(x, s1p, deg, w1, b1.reshape(1, H_F))


def _tc_layer2(hp, s2p, deg, w2, b2):
    def body(h_ref, s_ref, deg_ref, w_ref, b_ref, out_ref):
        i = pl.program_id(0)
        deg = jnp.sum(deg_ref[0], axis=0)[:, None]
        inv = 1.0 / jnp.maximum(deg, 1.0)
        h = jnp.concatenate([h_ref[ch] for ch in range(4)], axis=-1)
        agg = jnp.concatenate([s_ref[ch] for ch in range(4)], axis=-1) * inv
        y = jnp.dot((h + agg).astype(jnp.bfloat16),
                    w_ref[...].astype(jnp.bfloat16),
                    preferred_element_type=jnp.float32)
        y = jnp.maximum(y + b_ref[...], 0.0)
        part = jnp.sum(y, axis=0, keepdims=True) * (1.0 / N_NODES)

        @pl.when(i == 0)
        def _():
            out_ref[...] = part

        @pl.when(i > 0)
        def _():
            out_ref[...] += part

    return pl.pallas_call(
        body,
        grid=(N_NODES // _BN,),
        in_specs=[
            pl.BlockSpec((4, _BN, FB), lambda i: (0, i, 0)),
            pl.BlockSpec((4, _BN, FB), lambda i: (0, i, 0)),
            pl.BlockSpec((1, NS, _BN), lambda i: (i, 0, 0)),
            pl.BlockSpec((H_F, H_F), lambda i: (0, 0)),
            pl.BlockSpec((1, H_F), lambda i: (0, 0)),
        ],
        out_specs=pl.BlockSpec((1, H_F), lambda i: (0, 0)),
        out_shape=jax.ShapeDtypeStruct((1, H_F), jnp.float32),
    )(hp, s2p, deg, w2, b2.reshape(1, H_F))


def kernel(in_feat, edge_index, W1, b1, W2, b2):
    src = edge_index[0].astype(jnp.int32)
    dst = edge_index[1].astype(jnp.int32)
    xp = in_feat.reshape(N_NODES, 2, FB).transpose(1, 0, 2)
    z = jnp.zeros((N_NODES, FB), jnp.float32)

    s1p, deg_p = _sc_segsum_l1(xp, src, dst, z)
    deg = deg_p.reshape(NS, N_NODES // _BN, _BN).transpose(1, 0, 2)
    hp = _tc_layer1(in_feat, s1p, deg, W1, b1)
    (s2p,) = _sc_segsum_l2(hp, src, dst, z)
    out = _tc_layer2(hp, s2p, deg, W2, b2)
    return out

# --- scband reference (transcript-rebuilt; emitter-appended) ---
"""Pipeline reference for scband-gnn-35605278884329 (READ-ONLY COPY).

The authoritative reference and input builder live on the scoring server;
editing this copy changes nothing except your own understanding.
"""

import jax, jax.numpy as jnp
import numpy as np

N_NODES = 10000
N_EDGES = 160000
IN_FEATS = 256
H_FEATS = 512

def setup_inputs(seed: int = 0) -> dict:
    key = jax.random.key(seed)
    k1, k2, k3, k4, k5, k6 = jax.random.split(key, 6)
    in_feat = jax.random.normal(k1, (N_NODES, IN_FEATS), dtype=jnp.float32)
    edge_index = jax.random.randint(k2, (2, N_EDGES), 0, N_NODES, dtype=jnp.int64)
    # Linear layer params (PyTorch nn.Linear default init: U(-1/sqrt(fan_in), 1/sqrt(fan_in)))
    lim1 = 1.0 / np.sqrt(IN_FEATS)
    W1 = jax.random.uniform(k3, (IN_FEATS, H_FEATS), minval=-lim1, maxval=lim1, dtype=jnp.float32)
    b1 = jax.random.uniform(k4, (H_FEATS,), minval=-lim1, maxval=lim1, dtype=jnp.float32)
    lim2 = 1.0 / np.sqrt(H_FEATS)
    W2 = jax.random.uniform(k5, (H_FEATS, H_FEATS), minval=-lim2, maxval=lim2, dtype=jnp.float32)
    b2 = jax.random.uniform(k6, (H_FEATS,), minval=-lim2, maxval=lim2, dtype=jnp.float32)
    return {"in_feat": in_feat, "edge_index": edge_index, "W1": W1, "b1": b1, "W2": W2, "b2": b2}

def _mean_agg(x, src, dst, n_nodes):
    # mean of incoming neighbor (src) features per dst node
    msg = jnp.take(x, src, axis=0)
    summed = jax.ops.segment_sum(msg, dst, num_segments=n_nodes)
    deg = jax.ops.segment_sum(jnp.ones((src.shape[0],), dtype=x.dtype), dst, num_segments=n_nodes)
    deg = jnp.maximum(deg, 1.0)
    return summed / deg[:, None]

def reference(in_feat, edge_index, W1, b1, W2, b2):
    src = edge_index[0]
    dst = edge_index[1]
    n = in_feat.shape[0]
    eps = 0.0  # DGL GINConv default init_eps=0, learn_eps=False
    # GINConv layer 1: apply_func((1+eps)*x + mean_agg(x))
    agg1 = _mean_agg(in_feat, src, dst, n)
    h = ((1.0 + eps) * in_feat + agg1) @ W1 + b1
    h = jax.nn.relu(h)
    # GINConv layer 2
    agg2 = _mean_agg(h, src, dst, n)
    h = ((1.0 + eps) * h + agg2) @ W2 + b2
    h = jax.nn.relu(h)
    # dgl.mean_nodes over a single graph -> [1, H_FEATS]
    hg = jnp.mean(h, axis=0, keepdims=True)
    return hg

if __name__ == "__main__":
    import jax
    _d = setup_inputs()
    print(jax.jit(kernel)(*tuple(_d.values())))

</pallas_src>

<mosaic_0001>
#map = affine_map<(d0, d1) -> (0, 0, 0)>
#map1 = affine_map<(d0, d1) -> (0)>
#map2 = affine_map<(d0, d1) -> (0, 0)>
module attributes {stable_mosaic.version = 14 : i64} {
  func.func @seg_kernel(%arg0: i32, %arg1: i32, %arg2: memref<2x10000x128xf32, #tpu.memory_space<hbm>>, %arg3: memref<160000xi32, #tpu.memory_space<hbm>>, %arg4: memref<160000xi32, #tpu.memory_space<hbm>>, %arg5: memref<10000x128xf32, #tpu.memory_space<hbm>>, %arg6: memref<2x10000x128xf32, #tpu.memory_space<hbm>>, %arg7: memref<160000xf32, #tpu.memory_space<hbm>>, %arg8: memref<10000xi32, #tpu.memory_space<vmem>>, %arg9: memref<10000xi32, #tpu.memory_space<vmem>>, %arg10: memref<80x128xf32, #tpu.memory_space<vmem>>, %arg11: memref<80x128xf32, #tpu.memory_space<vmem>>, %arg12: memref<80xi32, #tpu.memory_space<vmem>>, %arg13: memref<80xi32, #tpu.memory_space<vmem>>, %arg14: memref<10000x128xf32, #tpu.memory_space<vmem_shared>>, %arg15: memref<!tpu.dma_semaphore, #tpu.memory_space<semaphore_mem>>, %arg16: memref<!tpu.dma_semaphore, #tpu.memory_space<semaphore_mem>>, %arg17: memref<!tpu.dma_semaphore, #tpu.memory_space<semaphore_mem>>, %arg18: memref<!tpu.dma_semaphore, #tpu.memory_space<semaphore_mem>>, %arg19: memref<10000xf32, #tpu.memory_space<vmem>>) attributes {dimension_semantics = [#tpu.dimension_semantics<core_parallel>, #tpu.dimension_semantics<subcore_parallel>], iteration_bounds = array<i64: 2, 16>, scalar_prefetch = 0 : i64, scratch_operands = 12 : i64, tpu.core_type = #tpu.core_type<sc_vector_subcore>, window_params = [{transform_indices = #map}, {transform_indices = #map1}, {transform_indices = #map1}, {transform_indices = #map2}, {transform_indices = #map}, {transform_indices = #map1}]} {
    %mul3A = arith.constant 624 : i32
    %mul3A_0 = arith.muli %arg1, %mul3A : i32
    %mul3A_1 = arith.constant 10000 : i32
    %mul3A_2 = arith.muli %arg1, %mul3A_1 : i32
    %scan3A = arith.constant 0 : i32
    %scan3A_3 = arith.constant 625 : i32
    %scan3A_4 = arith.addi %scan3A, %scan3A_3 : i32
    %scan3A_5 = arith.constant 1 : i32
    scf.for %scan3A_54 = %scan3A to %scan3A_4 step %scan3A_5  : i32 {
      %mul3A_55 = arith.constant 1 : i32
      %mul3A_56 = arith.muli %scan3A_54, %mul3A_55 : i32
      %add3A_57 = arith.constant 0 : i32
      %add3A_58 = arith.addi %add3A_57, %mul3A_56 : i32
      %broadcast_in_dim3A = arith.constant 0.000000e+00 : f32
      %broadcast_in_dim3A_59 = vector.broadcast %broadcast_in_dim3A : f32 to vector<16xf32>
      %mul3A_60 = arith.constant 16 : i32
      %mul3A_61 = arith.muli %add3A_58, %mul3A_60 : i32
      %swap3A = arith.index_cast %mul3A_61 : i32 to index
      %swap3A_62 = tpu.vector_load %arg19[%swap3A] {strides = array<i32>} : memref<10000xf32, #tpu.memory_space<vmem>>, vector<16xf32>,
      tpu.vector_store %arg19[%swap3A], %broadcast_in_dim3A_59 {strides = array<i32>} : memref<10000xf32, #tpu.memory_space<vmem>>, vector<16xf32>,
    }
    %scan3A_6 = arith.constant 625 : i32
    "tpu.region"() ({
      %run_scoped3A = tpu.sem_alloc : memref<!tpu.dma_semaphore, #tpu.memory_space<semaphore_mem>>
      %dma_start3A_54 = tpu.memref_slice %arg3[%mul3A_2] : memref<160000xi32, #tpu.memory_space<hbm>> -> memref<10000xi32, #tpu.memory_space<hbm>>
      %dma_start3A_55 = tpu.memref_slice %arg3[%mul3A_2] : memref<160000xi32, #tpu.memory_space<hbm>> -> memref<10000xi32, #tpu.memory_space<hbm>>
      tpu.enqueue_dma source(%dma_start3A_55 : memref<10000xi32, #tpu.memory_space<hbm>>) target(%arg8 : memref<10000xi32, #tpu.memory_space<vmem>>) target_semaphore(%run_scoped3A : memref<!tpu.dma_semaphore, #tpu.memory_space<semaphore_mem>>)
      %dma_wait3A_56 = tpu.memref_slice %arg3[%mul3A_2] : memref<160000xi32, #tpu.memory_space<hbm>> -> memref<10000xi32, #tpu.memory_space<hbm>>
      %dma_wait3A_57 = tpu.memref_slice %arg3[%mul3A_2] : memref<160000xi32, #tpu.memory_space<hbm>> -> memref<10000xi32, #tpu.memory_space<hbm>>
      tpu.wait_dma2 semaphore(%run_scoped3A : memref<!tpu.dma_semaphore, #tpu.memory_space<semaphore_mem>>) src(%dma_wait3A_57 : memref<10000xi32, #tpu.memory_space<hbm>>) dst(%arg8 : memref<10000xi32, #tpu.memory_space<vmem>>)
      tpu.yield
    }) : () -> ()
    "tpu.region"() ({
      %run_scoped3A = tpu.sem_alloc : memref<!tpu.dma_semaphore, #tpu.memory_space<semaphore_mem>>
      %dma_start3A_54 = tpu.memref_slice %arg4[%mul3A_2] : memref<160000xi32, #tpu.memory_space<hbm>> -> memref<10000xi32, #tpu.memory_space<hbm>>
      %dma_start3A_55 = tpu.memref_slice %arg4[%mul3A_2] : memref<160000xi32, #tpu.memory_space<hbm>> -> memref<10000xi32, #tpu.memory_space<hbm>>
      tpu.enqueue_dma source(%dma_start3A_55 : memref<10000xi32, #tpu.memory_space<hbm>>) target(%arg9 : memref<10000xi32, #tpu.memory_space<vmem>>) target_semaphore(%run_scoped3A : memref<!tpu.dma_semaphore, #tpu.memory_space<semaphore_mem>>)
      %dma_wait3A_56 = tpu.memref_slice %arg4[%mul3A_2] : memref<160000xi32, #tpu.memory_space<hbm>> -> memref<10000xi32, #tpu.memory_space<hbm>>
      %dma_wait3A_57 = tpu.memref_slice %arg4[%mul3A_2] : memref<160000xi32, #tpu.memory_space<hbm>> -> memref<10000xi32, #tpu.memory_space<hbm>>
      tpu.wait_dma2 semaphore(%run_scoped3A : memref<!tpu.dma_semaphore, #tpu.memory_space<semaphore_mem>>) src(%dma_wait3A_57 : memref<10000xi32, #tpu.memory_space<hbm>>) dst(%arg9 : memref<10000xi32, #tpu.memory_space<vmem>>)
      tpu.yield
    }) : () -> ()
    %mul3A_7 = arith.constant 1 : i32
    %mul3A_8 = arith.muli %arg0, %mul3A_7 : i32
    %add3A = arith.constant 0 : i32
    %add3A_9 = arith.addi %mul3A_8, %add3A : i32
    "tpu.region"() ({
      %run_scoped3A = tpu.sem_alloc : memref<!tpu.dma_semaphore, #tpu.memory_space<semaphore_mem>>
      %dma_start3A_54 = arith.constant 0 : i32
      %dma_start3A_55 = tpu.memref_slice %arg14[%mul3A_0, %dma_start3A_54] : memref<10000x128xf32, #tpu.memory_space<vmem_shared>> -> memref<624x128xf32, #tpu.memory_space<vmem_shared>>
      %dma_start3A_56 = arith.constant 0 : i32
      %dma_start3A_57 = tpu.memref_slice %arg5[%mul3A_0, %dma_start3A_56] : memref<10000x128xf32, #tpu.memory_space<hbm>> -> memref<624x128xf32, #tpu.memory_space<hbm>>
      tpu.enqueue_dma source(%dma_start3A_57 : memref<624x128xf32, #tpu.memory_space<hbm>>) target(%dma_start3A_55 : memref<624x128xf32, #tpu.memory_space<vmem_shared>>) target_semaphore(%run_scoped3A : memref<!tpu.dma_semaphore, #tpu.memory_space<semaphore_mem>>)
      %dma_wait3A_58 = arith.constant 0 : i32
      %dma_wait3A_59 = tpu.memref_slice %arg14[%mul3A_0, %dma_wait3A_58] : memref<10000x128xf32, #tpu.memory_space<vmem_shared>> -> memref<624x128xf32, #tpu.memory_space<vmem_shared>>
      %dma_wait3A_60 = arith.constant 0 : i32
      %dma_wait3A_61 = tpu.memref_slice %arg5[%mul3A_0, %dma_wait3A_60] : memref<10000x128xf32, #tpu.memory_space<hbm>> -> memref<624x128xf32, #tpu.memory_space<hbm>>
      tpu.wait_dma2 semaphore(%run_scoped3A : memref<!tpu.dma_semaphore, #tpu.memory_space<semaphore_mem>>) src(%dma_wait3A_61 : memref<624x128xf32, #tpu.memory_space<hbm>>) dst(%dma_wait3A_59 : memref<624x128xf32, #tpu.memory_space<vmem_shared>>)
      tpu.yield
    }) : () -> ()
    %eq3A = arith.constant 15 : i32
    %eq3A_10 = arith.cmpi eq, %arg1, %eq3A : i32
    %convert_element_type3A = arith.extui %eq3A_10 : i1 to i32
    %cond3A = arith.constant 0 : i32
    %cond3A_11 = arith.cmpi ne, %convert_element_type3A, %cond3A : i32
    scf.if %cond3A_11 {
      "tpu.region"() ({
        %run_scoped3A = tpu.sem_alloc : memref<!tpu.dma_semaphore, #tpu.memory_space<semaphore_mem>>
        %dma_start3A_54 = arith.constant 9984 : i32
        %dma_start3A_55 = arith.constant 0 : i32
        %dma_start3A_56 = tpu.memref_slice %arg14[%dma_start3A_54, %dma_start3A_55] : memref<10000x128xf32, #tpu.memory_space<vmem_shared>> -> memref<16x128xf32, #tpu.memory_space<vmem_shared>>
        %dma_start3A_57 = arith.constant 9984 : i32
        %dma_start3A_58 = arith.constant 0 : i32
        %dma_start3A_59 = tpu.memref_slice %arg5[%dma_start3A_57, %dma_start3A_58] : memref<10000x128xf32, #tpu.memory_space<hbm>> -> memref<16x128xf32, #tpu.memory_space<hbm>>
        tpu.enqueue_dma source(%dma_start3A_59 : memref<16x128xf32, #tpu.memory_space<hbm>>) target(%dma_start3A_56 : memref<16x128xf32, #tpu.memory_space<vmem_shared>>) target_semaphore(%run_scoped3A : memref<!tpu.dma_semaphore, #tpu.memory_space<semaphore_mem>>)
        %dma_wait3A_60 = arith.constant 9984 : i32
        %dma_wait3A_61 = arith.constant 0 : i32
        %dma_wait3A_62 = tpu.memref_slice %arg14[%dma_wait3A_60, %dma_wait3A_61] : memref<10000x128xf32, #tpu.memory_space<vmem_shared>> -> memref<16x128xf32, #tpu.memory_space<vmem_shared>>
        %dma_wait3A_63 = arith.constant 9984 : i32
        %dma_wait3A_64 = arith.constant 0 : i32
        %dma_wait3A_65 = tpu.memref_slice %arg5[%dma_wait3A_63, %dma_wait3A_64] : memref<10000x128xf32, #tpu.memory_space<hbm>> -> memref<16x128xf32, #tpu.memory_space<hbm>>
        tpu.wait_dma2 semaphore(%run_scoped3A : memref<!tpu.dma_semaphore, #tpu.memory_space<semaphore_mem>>) src(%dma_wait3A_65 : memref<16x128xf32, #tpu.memory_space<hbm>>) dst(%dma_wait3A_62 : memref<16x128xf32, #tpu.memory_space<vmem_shared>>)
        tpu.yield
      }) : () -> ()
    } else {
    }
    %barrier3A = arith.constant 0 : index
    tpu.barrier barrier_id(%barrier3A)
    %dma_start3A = arith.constant 0 : i32
    %dma_start3A_12 = tpu.memref_slice %arg8[%dma_start3A] : memref<10000xi32, #tpu.memory_space<vmem>> -> memref<80xi32, #tpu.memory_space<vmem>>
    %dma_start3A_13 = arith.constant 0 : i32
    %dma_start3A_14 = arith.constant 0 : i32
    %dma_start3A_15 = tpu.memref_slice %arg2[%add3A_9, %dma_start3A_13, %dma_start3A_14] : memref<2x10000x128xf32, #tpu.memory_space<hbm>> -> memref<1x10000x128xf32, #tpu.memory_space<hbm>>
    %dma_start3A_16 = tpu.memref_squeeze %dma_start3A_15 : memref<1x10000x128xf32, #tpu.memory_space<hbm>> -> memref<10000x128xf32, #tpu.memory_space<hbm>>
    %dma_start3A_17 = arith.constant 0 : i32
    %dma_start3A_18 = arith.constant 0 : i32
    %dma_start3A_19 = tpu.memref_slice %dma_start3A_16[%dma_start3A_17, %dma_start3A_18] : memref<10000x128xf32, #tpu.memory_space<hbm>> -> memref<10000x128xf32, #tpu.memory_space<hbm>>
    tpu.enqueue_indirect_dma source(%dma_start3A_19 : memref<10000x128xf32, #tpu.memory_space<hbm>>) target(%arg10 : memref<80x128xf32, #tpu.memory_space<vmem>>) offsets(%dma_start3A_12 : memref<80xi32, #tpu.memory_space<vmem>>) semaphore(%arg15 : memref<!tpu.dma_semaphore, #tpu.memory_space<semaphore_mem>>)
    %scan3A_20 = arith.constant 0 : i32
    %scan3A_21 = arith.constant 62 : i32
    %scan3A_22 = arith.addi %scan3A_20, %scan3A_21 : i32
    %scan3A_23 = arith.constant 1 : i32
    scf.for %scan3A_54 = %scan3A_20 to %scan3A_22 step %scan3A_23  : i32 {
      %mul3A_55 = arith.constant 2 : i32
      %mul3A_56 = arith.muli %scan3A_54, %mul3A_55 : i32
      %add3A_57 = arith.constant 0 : i32
      %add3A_58 = arith.addi %add3A_57, %mul3A_56 : i32
      %add3A_59 = arith.constant 1 : i32
      %add3A_60 = arith.addi %add3A_58, %add3A_59 : i32
      %mul3A_61 = arith.constant 80 : i32
      %mul3A_62 = arith.muli %add3A_60, %mul3A_61 : i32
      %dma_start3A_63 = tpu.memref_slice %arg8[%mul3A_62] : memref<10000xi32, #tpu.memory_space<vmem>> -> memref<80xi32, #tpu.memory_space<vmem>>
      %dma_start3A_64 = arith.constant 0 : i32
      %dma_start3A_65 = arith.constant 0 : i32
      %dma_start3A_66 = tpu.memref_slice %arg2[%add3A_9, %dma_start3A_64, %dma_start3A_65] : memref<2x10000x128xf32, #tpu.memory_space<hbm>> -> memref<1x10000x128xf32, #tpu.memory_space<hbm>>
      %dma_start3A_67 = tpu.memref_squeeze %dma_start3A_66 : memref<1x10000x128xf32, #tpu.memory_space<hbm>> -> memref<10000x128xf32, #tpu.memory_space<hbm>>
      %dma_start3A_68 = arith.constant 0 : i32
      %dma_start3A_69 = arith.constant 0 : i32
      %dma_start3A_70 = tpu.memref_slice %dma_start3A_67[%dma_start3A_68, %dma_start3A_69] : memref<10000x128xf32, #tpu.memory_space<hbm>> -> memref<10000x128xf32, #tpu.memory_space<hbm>>
      tpu.enqueue_indirect_dma source(%dma_start3A_70 : memref<10000x128xf32, #tpu.memory_space<hbm>>) target(%arg11 : memref<80x128xf32, #tpu.memory_space<vmem>>) offsets(%dma_start3A_63 : memref<80xi32, #tpu.memory_space<vmem>>) semaphore(%arg16 : memref<!tpu.dma_semaphore, #tpu.memory_space<semaphore_mem>>)
      %scan3A_71 = arith.constant 0 : i32
      %scan3A_72 = arith.constant 5 : i32
      %scan3A_73 = arith.addi %scan3A_71, %scan3A_72 : i32
      %scan3A_74 = arith.constant 1 : i32
      scf.for %scan3A_123 = %scan3A_71 to %scan3A_73 step %scan3A_74  : i32 {
        %mul3A_124 = arith.constant 1 : i32
        %mul3A_125 = arith.muli %scan3A_123, %mul3A_124 : i32
        %add3A_126 = arith.constant 0 : i32
        %add3A_127 = arith.addi %add3A_126, %mul3A_125 : i32
        %mul3A_128 = arith.constant 80 : i32
        %mul3A_129 = arith.muli %add3A_58, %mul3A_128 : i32
        %mul3A_130 = arith.constant 16 : i32
        %mul3A_131 = arith.muli %add3A_127, %mul3A_130 : i32
        %add3A_132 = arith.addi %mul3A_129, %mul3A_131 : i32
        %get3A = arith.index_cast %add3A_132 : i32 to index
        %get3A_133 = tpu.vector_load %arg9[%get3A] {strides = array<i32>} : memref<10000xi32, #tpu.memory_space<vmem>>, vector<16xi32>,
        %mul3A_134 = arith.constant 16 : i32
        %mul3A_135 = arith.muli %add3A_127, %mul3A_134 : i32
        %swap3A = arith.index_cast %mul3A_135 : i32 to index
        %swap3A_136 = tpu.vector_load %arg12[%swap3A] {strides = array<i32>} : memref<80xi32, #tpu.memory_space<vmem>>, vector<16xi32>,
        tpu.vector_store %arg12[%swap3A], %get3A_133 {strides = array<i32>} : memref<80xi32, #tpu.memory_space<vmem>>, vector<16xi32>,
        %broadcast_in_dim3A = arith.constant 1.000000e+00 : f32
        %broadcast_in_dim3A_137 = vector.broadcast %broadcast_in_dim3A : f32 to vector<16xf32>
        tpu.vector_store_idx %arg19[%get3A_133], %broadcast_in_dim3A_137 {add = true} : memref<10000xf32, #tpu.memory_space<vmem>>[vector<16xi32>], vector<16xf32>,
      }
      %scan3A_75 = arith.constant 5 : i32
      %dma_wait3A_76 = arith.constant 0 : i32
      %dma_wait3A_77 = arith.constant 0 : i32
      %dma_wait3A_78 = tpu.memref_slice %arg2[%add3A_9, %dma_wait3A_76, %dma_wait3A_77] : memref<2x10000x128xf32, #tpu.memory_space<hbm>> -> memref<1x10000x128xf32, #tpu.memory_space<hbm>>
      %dma_wait3A_79 = tpu.memref_squeeze %dma_wait3A_78 : memref<1x10000x128xf32, #tpu.memory_space<hbm>> -> memref<10000x128xf32, #tpu.memory_space<hbm>>
      %dma_wait3A_80 = arith.constant 0 : i32
      %dma_wait3A_81 = arith.constant 0 : i32
      %dma_wait3A_82 = tpu.memref_slice %dma_wait3A_79[%dma_wait3A_80, %dma_wait3A_81] : memref<10000x128xf32, #tpu.memory_space<hbm>> -> memref<80x128xf32, #tpu.memory_space<hbm>>
      %dma_wait3A_83 = arith.constant 0 : i32
      %dma_wait3A_84 = arith.constant 0 : i32
      %dma_wait3A_85 = tpu.memref_slice %arg2[%add3A_9, %dma_wait3A_83, %dma_wait3A_84] : memref<2x10000x128xf32, #tpu.memory_space<hbm>> -> memref<1x10000x128xf32, #tpu.memory_space<hbm>>
      %dma_wait3A_86 = tpu.memref_squeeze %dma_wait3A_85 : memref<1x10000x128xf32, #tpu.memory_space<hbm>> -> memref<10000x128xf32, #tpu.memory_space<hbm>>
      %dma_wait3A_87 = arith.constant 0 : i32
      %dma_wait3A_88 = arith.constant 0 : i32
      %dma_wait3A_89 = tpu.memref_slice %dma_wait3A_86[%dma_wait3A_87, %dma_wait3A_88] : memref<10000x128xf32, #tpu.memory_space<hbm>> -> memref<80x128xf32, #tpu.memory_space<hbm>>
      tpu.wait_dma2 semaphore(%arg15 : memref<!tpu.dma_semaphore, #tpu.memory_space<semaphore_mem>>) src(%dma_wait3A_89 : memref<80x128xf32, #tpu.memory_space<hbm>>) dst(%arg10 : memref<80x128xf32, #tpu.memory_space<vmem>>)
      "tpu.region"() ({
        %run_scoped3A = tpu.sem_alloc : memref<!tpu.dma_semaphore, #tpu.memory_space<semaphore_mem>>
        %dma_start3A_123 = arith.constant 0 : i32
        %dma_start3A_124 = arith.constant 0 : i32
        %dma_start3A_125 = tpu.memref_slice %arg14[%dma_start3A_123, %dma_start3A_124] : memref<10000x128xf32, #tpu.memory_space<vmem_shared>> -> memref<10000x128xf32, #tpu.memory_space<vmem_shared>>
        tpu.enqueue_indirect_dma source(%arg10 : memref<80x128xf32, #tpu.memory_space<vmem>>) target(%dma_start3A_125 : memref<10000x128xf32, #tpu.memory_space<vmem_shared>>) offsets(%arg12 : memref<80xi32, #tpu.memory_space<vmem>>) semaphore(%run_scoped3A : memref<!tpu.dma_semaphore, #tpu.memory_space<semaphore_mem>>) {add = true}
        %dma_wait3A_126 = arith.constant 0 : i32
        %dma_wait3A_127 = arith.constant 0 : i32
        %dma_wait3A_128 = tpu.memref_slice %arg14[%dma_wait3A_126, %dma_wait3A_127] : memref<10000x128xf32, #tpu.memory_space<vmem_shared>> -> memref<10000x128xf32, #tpu.memory_space<vmem_shared>>
        tpu.wait_indirect_dma semaphore(%run_scoped3A : memref<!tpu.dma_semaphore, #tpu.memory_space<semaphore_mem>>) src(%arg10 : memref<80x128xf32, #tpu.memory_space<vmem>>) dst(%dma_wait3A_128 : memref<10000x128xf32, #tpu.memory_space<vmem_shared>>)
        tpu.yield
      }) : () -> ()
      %add3A_90 = arith.constant 2 : i32
      %add3A_91 = arith.addi %add3A_58, %add3A_90 : i32
      %mul3A_92 = arith.constant 80 : i32
      %mul3A_93 = arith.muli %add3A_91, %mul3A_92 : i32
      %dma_start3A_94 = tpu.memref_slice %arg8[%mul3A_93] : memref<10000xi32, #tpu.memory_space<vmem>> -> memref<80xi32, #tpu.memory_space<vmem>>
      %dma_start3A_95 = arith.constant 0 : i32
      %dma_start3A_96 = arith.constant 0 : i32
      %dma_start3A_97 = tpu.memref_slice %arg2[%add3A_9, %dma_start3A_95, %dma_start3A_96] : memref<2x10000x128xf32, #tpu.memory_space<hbm>> -> memref<1x10000x128xf32, #tpu.memory_space<hbm>>
      %dma_start3A_98 = tpu.memref_squeeze %dma_start3A_97 : memref<1x10000x128xf32, #tpu.memory_space<hbm>> -> memref<10000x128xf32, #tpu.memory_space<hbm>>
      %dma_start3A_99 = arith.constant 0 : i32
      %dma_start3A_100 = arith.constant 0 : i32
      %dma_start3A_101 = tpu.memref_slice %dma_start3A_98[%dma_start3A_99, %dma_start3A_100] : memref<10000x128xf32, #tpu.memory_space<hbm>> -> memref<10000x128xf32, #tpu.memory_space<hbm>>
      tpu.enqueue_indirect_dma source(%dma_start3A_101 : memref<10000x128xf32, #tpu.memory_space<hbm>>) target(%arg10 : memref<80x128xf32, #tpu.memory_space<vmem>>) offsets(%dma_start3A_94 : memref<80xi32, #tpu.memory_space<vmem>>) semaphore(%arg15 : memref<!tpu.dma_semaphore, #tpu.memory_space<semaphore_mem>>)
      %add3A_102 = arith.constant 1 : i32
      %add3A_103 = arith.addi %add3A_58, %add3A_102 : i32
      %scan3A_104 = arith.constant 0 : i32
      %scan3A_105 = arith.constant 5 : i32
      %scan3A_106 = arith.addi %scan3A_104, %scan3A_105 : i32
      %scan3A_107 = arith.constant 1 : i32
      scf.for %scan3A_123 = %scan3A_104 to %scan3A_106 step %scan3A_107  : i32 {
        %mul3A_124 = arith.constant 1 : i32
        %mul3A_125 = arith.muli %scan3A_123, %mul3A_124 : i32
        %add3A_126 = arith.constant 0 : i32
        %add3A_127 = arith.addi %add3A_126, %mul3A_125 : i32
        %mul3A_128 = arith.constant 80 : i32
        %mul3A_129 = arith.muli %add3A_103, %mul3A_128 : i32
        %mul3A_130 = arith.constant 16 : i32
        %mul3A_131 = arith.muli %add3A_127, %mul3A_130 : i32
        %add3A_132 = arith.addi %mul3A_129, %mul3A_131 : i32
        %get3A = arith.index_cast %add3A_132 : i32 to index
        %get3A_133 = tpu.vector_load %arg9[%get3A] {strides = array<i32>} : memref<10000xi32, #tpu.memory_space<vmem>>, vector<16xi32>,
        %mul3A_134 = arith.constant 16 : i32
        %mul3A_135 = arith.muli %add3A_127, %mul3A_134 : i32
        %swap3A = arith.index_cast %mul3A_135 : i32 to index
        %swap3A_136 = tpu.vector_load %arg13[%swap3A] {strides = array<i32>} : memref<80xi32, #tpu.memory_space<vmem>>, vector<16xi32>,
        tpu.vector_store %arg13[%swap3A], %get3A_133 {strides = array<i32>} : memref<80xi32, #tpu.memory_space<vmem>>, vector<16xi32>,
        %broadcast_in_dim3A = arith.constant 1.000000e+00 : f32
        %broadcast_in_dim3A_137 = vector.broadcast %broadcast_in_dim3A : f32 to vector<16xf32>
        tpu.vector_store_idx %arg19[%get3A_133], %broadcast_in_dim3A_137 {add = true} : memref<10000xf32, #tpu.memory_space<vmem>>[vector<16xi32>], vector<16xf32>,
      }
      %scan3A_108 = arith.constant 5 : i32
      %dma_wait3A_109 = arith.constant 0 : i32
      %dma_wait3A_110 = arith.constant 0 : i32
      %dma_wait3A_111 = tpu.memref_slice %arg2[%add3A_9, %dma_wait3A_109, %dma_wait3A_110] : memref<2x10000x128xf32, #tpu.memory_space<hbm>> -> memref<1x10000x128xf32, #tpu.memory_space<hbm>>
      %dma_wait3A_112 = tpu.memref_squeeze %dma_wait3A_111 : memref<1x10000x128xf32, #tpu.memory_space<hbm>> -> memref<10000x128xf32, #tpu.memory_space<hbm>>
      %dma_wait3A_113 = arith.constant 0 : i32
      %dma_wait3A_114 = arith.constant 0 : i32
      %dma_wait3A_115 = tpu.memref_slice %dma_wait3A_112[%dma_wait3A_113, %dma_wait3A_114] : memref<10000x128xf32, #tpu.memory_space<hbm>> -> memref<80x128xf32, #tpu.memory_space<hbm>>
      %dma_wait3A_116 = arith.constant 0 : i32
      %dma_wait3A_117 = arith.constant 0 : i32
      %dma_wait3A_118 = tpu.memref_slice %arg2[%add3A_9, %dma_wait3A_116, %dma_wait3A_117] : memref<2x10000x128xf32, #tpu.memory_space<hbm>> -> memref<1x10000x128xf32, #tpu.memory_space<hbm>>
      %dma_wait3A_119 = tpu.memref_squeeze %dma_wait3A_118 : memref<1x10000x128xf32, #tpu.memory_space<hbm>> -> memref<10000x128xf32, #tpu.memory_space<hbm>>
      %dma_wait3A_120 = arith.constant 0 : i32
      %dma_wait3A_121 = arith.constant 0 : i32
      %dma_wait3A_122 = tpu.memref_slice %dma_wait3A_119[%dma_wait3A_120, %dma_wait3A_121] : memref<10000x128xf32, #tpu.memory_space<hbm>> -> memref<80x128xf32, #tpu.memory_space<hbm>>
      tpu.wait_dma2 semaphore(%arg16 : memref<!tpu.dma_semaphore, #tpu.memory_space<semaphore_mem>>) src(%dma_wait3A_122 : memref<80x128xf32, #tpu.memory_space<hbm>>) dst(%arg11 : memref<80x128xf32, #tpu.memory_space<vmem>>)
      "tpu.region"() ({
        %run_scoped3A = tpu.sem_alloc : memref<!tpu.dma_semaphore, #tpu.memory_space<semaphore_mem>>
        %dma_start3A_123 = arith.constant 0 : i32
        %dma_start3A_124 = arith.constant 0 : i32
        %dma_start3A_125 = tpu.memref_slice %arg14[%dma_start3A_123, %dma_start3A_124] : memref<10000x128xf32, #tpu.memory_space<vmem_shared>> -> memref<10000x128xf32, #tpu.memory_space<vmem_shared>>
        tpu.enqueue_indirect_dma source(%arg11 : memref<80x128xf32, #tpu.memory_space<vmem>>) target(%dma_start3A_125 : memref<10000x128xf32, #tpu.memory_space<vmem_shared>>) offsets(%arg13 : memref<80xi32, #tpu.memory_space<vmem>>) semaphore(%run_scoped3A : memref<!tpu.dma_semaphore, #tpu.memory_space<semaphore_mem>>) {add = true}
        %dma_wait3A_126 = arith.constant 0 : i32
        %dma_wait3A_127 = arith.constant 0 : i32
        %dma_wait3A_128 = tpu.memref_slice %arg14[%dma_wait3A_126, %dma_wait3A_127] : memref<10000x128xf32, #tpu.memory_space<vmem_shared>> -> memref<10000x128xf32, #tpu.memory_space<vmem_shared>>
        tpu.wait_indirect_dma semaphore(%run_scoped3A : memref<!tpu.dma_semaphore, #tpu.memory_space<semaphore_mem>>) src(%arg11 : memref<80x128xf32, #tpu.memory_space<vmem>>) dst(%dma_wait3A_128 : memref<10000x128xf32, #tpu.memory_space<vmem_shared>>)
        tpu.yield
      }) : () -> ()
    }
    %scan3A_24 = arith.constant 62 : i32
    %scan3A_25 = arith.constant 0 : i32
    %scan3A_26 = arith.constant 5 : i32
    %scan3A_27 = arith.addi %scan3A_25, %scan3A_26 : i32
    %scan3A_28 = arith.constant 1 : i32
    scf.for %scan3A_54 = %scan3A_25 to %scan3A_27 step %scan3A_28  : i32 {
      %mul3A_55 = arith.constant 1 : i32
      %mul3A_56 = arith.muli %scan3A_54, %mul3A_55 : i32
      %add3A_57 = arith.constant 0 : i32
      %add3A_58 = arith.addi %add3A_57, %mul3A_56 : i32
      %mul3A_59 = arith.constant 16 : i32
      %mul3A_60 = arith.muli %add3A_58, %mul3A_59 : i32
      %add3A_61 = arith.constant 9920 : i32
      %add3A_62 = arith.addi %add3A_61, %mul3A_60 : i32
      %get3A = arith.index_cast %add3A_62 : i32 to index
      %get3A_63 = tpu.vector_load %arg9[%get3A] {strides = array<i32>} : memref<10000xi32, #tpu.memory_space<vmem>>, vector<16xi32>,
      %mul3A_64 = arith.constant 16 : i32
      %mul3A_65 = arith.muli %add3A_58, %mul3A_64 : i32
      %swap3A = arith.index_cast %mul3A_65 : i32 to index
      %swap3A_66 = tpu.vector_load %arg12[%swap3A] {strides = array<i32>} : memref<80xi32, #tpu.memory_space<vmem>>, vector<16xi32>,
      tpu.vector_store %arg12[%swap3A], %get3A_63 {strides = array<i32>} : memref<80xi32, #tpu.memory_space<vmem>>, vector<16xi32>,
      %broadcast_in_dim3A = arith.constant 1.000000e+00 : f32
      %broadcast_in_dim3A_67 = vector.broadcast %broadcast_in_dim3A : f32 to vector<16xf32>
      tpu.vector_store_idx %arg19[%get3A_63], %broadcast_in_dim3A_67 {add = true} : memref<10000xf32, #tpu.memory_space<vmem>>[vector<16xi32>], vector<16xf32>,
    }
    %scan3A_29 = arith.constant 5 : i32
    %dma_wait3A = arith.constant 0 : i32
    %dma_wait3A_30 = arith.constant 0 : i32
    %dma_wait3A_31 = tpu.memref_slice %arg2[%add3A_9, %dma_wait3A, %dma_wait3A_30] : memref<2x10000x128xf32, #tpu.memory_space<hbm>> -> memref<1x10000x128xf32, #tpu.memory_space<hbm>>
    %dma_wait3A_32 = tpu.memref_squeeze %dma_wait3A_31 : memref<1x10000x128xf32, #tpu.memory_space<hbm>> -> memref<10000x128xf32, #tpu.memory_space<hbm>>
    %dma_wait3A_33 = arith.constant 0 : i32
    %dma_wait3A_34 = arith.constant 0 : i32
    %dma_wait3A_35 = tpu.memref_slice %dma_wait3A_32[%dma_wait3A_33, %dma_wait3A_34] : memref<10000x128xf32, #tpu.memory_space<hbm>> -> memref<80x128xf32, #tpu.memory_space<hbm>>
    %dma_wait3A_36 = arith.constant 0 : i32
    %dma_wait3A_37 = arith.constant 0 : i32
    %dma_wait3A_38 = tpu.memref_slice %arg2[%add3A_9, %dma_wait3A_36, %dma_wait3A_37] : memref<2x10000x128xf32, #tpu.memory_space<hbm>> -> memref<1x10000x128xf32, #tpu.memory_space<hbm>>
    %dma_wait3A_39 = tpu.memref_squeeze %dma_wait3A_38 : memref<1x10000x128xf32, #tpu.memory_space<hbm>> -> memref<10000x128xf32, #tpu.memory_space<hbm>>
    %dma_wait3A_40 = arith.constant 0 : i32
    %dma_wait3A_41 = arith.constant 0 : i32
    %dma_wait3A_42 = tpu.memref_slice %dma_wait3A_39[%dma_wait3A_40, %dma_wait3A_41] : memref<10000x128xf32, #tpu.memory_space<hbm>> -> memref<80x128xf32, #tpu.memory_space<hbm>>
    tpu.wait_dma2 semaphore(%arg15 : memref<!tpu.dma_semaphore, #tpu.memory_space<semaphore_mem>>) src(%dma_wait3A_42 : memref<80x128xf32, #tpu.memory_space<hbm>>) dst(%arg10 : memref<80x128xf32, #tpu.memory_space<vmem>>)
    "tpu.region"() ({
      %run_scoped3A = tpu.sem_alloc : memref<!tpu.dma_semaphore, #tpu.memory_space<semaphore_mem>>
      %dma_start3A_54 = arith.constant 0 : i32
      %dma_start3A_55 = arith.constant 0 : i32
      %dma_start3A_56 = tpu.memref_slice %arg14[%dma_start3A_54, %dma_start3A_55] : memref<10000x128xf32, #tpu.memory_space<vmem_shared>> -> memref<10000x128xf32, #tpu.memory_space<vmem_shared>>
      tpu.enqueue_indirect_dma source(%arg10 : memref<80x128xf32, #tpu.memory_space<vmem>>) target(%dma_start3A_56 : memref<10000x128xf32, #tpu.memory_space<vmem_shared>>) offsets(%arg12 : memref<80xi32, #tpu.memory_space<vmem>>) semaphore(%run_scoped3A : memref<!tpu.dma_semaphore, #tpu.memory_space<semaphore_mem>>) {add = true}
      %dma_wait3A_57 = arith.constant 0 : i32
      %dma_wait3A_58 = arith.constant 0 : i32
      %dma_wait3A_59 = tpu.memref_slice %arg14[%dma_wait3A_57, %dma_wait3A_58] : memref<10000x128xf32, #tpu.memory_space<vmem_shared>> -> memref<10000x128xf32, #tpu.memory_space<vmem_shared>>
      tpu.wait_indirect_dma semaphore(%run_scoped3A : memref<!tpu.dma_semaphore, #tpu.memory_space<semaphore_mem>>) src(%arg10 : memref<80x128xf32, #tpu.memory_space<vmem>>) dst(%dma_wait3A_59 : memref<10000x128xf32, #tpu.memory_space<vmem_shared>>)
      tpu.yield
    }) : () -> ()
    %barrier3A_43 = arith.constant 0 : index
    tpu.barrier barrier_id(%barrier3A_43)
    "tpu.region"() ({
      %run_scoped3A = tpu.sem_alloc : memref<!tpu.dma_semaphore, #tpu.memory_space<semaphore_mem>>
      %dma_start3A_54 = arith.constant 0 : i32
      %dma_start3A_55 = arith.constant 0 : i32
      %dma_start3A_56 = tpu.memref_slice %arg6[%add3A_9, %dma_start3A_54, %dma_start3A_55] : memref<2x10000x128xf32, #tpu.memory_space<hbm>> -> memref<1x10000x128xf32, #tpu.memory_space<hbm>>
      %dma_start3A_57 = tpu.memref_squeeze %dma_start3A_56 : memref<1x10000x128xf32, #tpu.memory_space<hbm>> -> memref<10000x128xf32, #tpu.memory_space<hbm>>
      %dma_start3A_58 = arith.constant 0 : i32
      %dma_start3A_59 = tpu.memref_slice %dma_start3A_57[%mul3A_0, %dma_start3A_58] : memref<10000x128xf32, #tpu.memory_space<hbm>> -> memref<624x128xf32, #tpu.memory_space<hbm>>
      %dma_start3A_60 = arith.constant 0 : i32
      %dma_start3A_61 = tpu.memref_slice %arg14[%mul3A_0, %dma_start3A_60] : memref<10000x128xf32, #tpu.memory_space<vmem_shared>> -> memref<624x128xf32, #tpu.memory_space<vmem_shared>>
      tpu.enqueue_dma source(%dma_start3A_61 : memref<624x128xf32, #tpu.memory_space<vmem_shared>>) target(%dma_start3A_59 : memref<624x128xf32, #tpu.memory_space<hbm>>) target_semaphore(%run_scoped3A : memref<!tpu.dma_semaphore, #tpu.memory_space<semaphore_mem>>)
      %dma_wait3A_62 = arith.constant 0 : i32
      %dma_wait3A_63 = arith.constant 0 : i32
      %dma_wait3A_64 = tpu.memref_slice %arg6[%add3A_9, %dma_wait3A_62, %dma_wait3A_63] : memref<2x10000x128xf32, #tpu.memory_space<hbm>> -> memref<1x10000x128xf32, #tpu.memory_space<hbm>>
      %dma_wait3A_65 = tpu.memref_squeeze %dma_wait3A_64 : memref<1x10000x128xf32, #tpu.memory_space<hbm>> -> memref<10000x128xf32, #tpu.memory_space<hbm>>
      %dma_wait3A_66 = arith.constant 0 : i32
      %dma_wait3A_67 = tpu.memref_slice %dma_wait3A_65[%mul3A_0, %dma_wait3A_66] : memref<10000x128xf32, #tpu.memory_space<hbm>> -> memref<624x128xf32, #tpu.memory_space<hbm>>
      %dma_wait3A_68 = arith.constant 0 : i32
      %dma_wait3A_69 = tpu.memref_slice %arg14[%mul3A_0, %dma_wait3A_68] : memref<10000x128xf32, #tpu.memory_space<vmem_shared>> -> memref<624x128xf32, #tpu.memory_space<vmem_shared>>
      tpu.wait_dma2 semaphore(%run_scoped3A : memref<!tpu.dma_semaphore, #tpu.memory_space<semaphore_mem>>) src(%dma_wait3A_69 : memref<624x128xf32, #tpu.memory_space<vmem_shared>>) dst(%dma_wait3A_67 : memref<624x128xf32, #tpu.memory_space<hbm>>)
      tpu.yield
    }) : () -> ()
    %eq3A_44 = arith.constant 15 : i32
    %eq3A_45 = arith.cmpi eq, %arg1, %eq3A_44 : i32
    %convert_element_type3A_46 = arith.extui %eq3A_45 : i1 to i32
    %cond3A_47 = arith.constant 0 : i32
    %cond3A_48 = arith.cmpi ne, %convert_element_type3A_46, %cond3A_47 : i32
    scf.if %cond3A_48 {
      "tpu.region"() ({
        %run_scoped3A = tpu.sem_alloc : memref<!tpu.dma_semaphore, #tpu.memory_space<semaphore_mem>>
        %dma_start3A_54 = arith.constant 0 : i32
        %dma_start3A_55 = arith.constant 0 : i32
        %dma_start3A_56 = tpu.memref_slice %arg6[%add3A_9, %dma_start3A_54, %dma_start3A_55] : memref<2x10000x128xf32, #tpu.memory_space<hbm>> -> memref<1x10000x128xf32, #tpu.memory_space<hbm>>
        %dma_start3A_57 = tpu.memref_squeeze %dma_start3A_56 : memref<1x10000x128xf32, #tpu.memory_space<hbm>> -> memref<10000x128xf32, #tpu.memory_space<hbm>>
        %dma_start3A_58 = arith.constant 9984 : i32
        %dma_start3A_59 = arith.constant 0 : i32
        %dma_start3A_60 = tpu.memref_slice %dma_start3A_57[%dma_start3A_58, %dma_start3A_59] : memref<10000x128xf32, #tpu.memory_space<hbm>> -> memref<16x128xf32, #tpu.memory_space<hbm>>
        %dma_start3A_61 = arith.constant 9984 : i32
        %dma_start3A_62 = arith.constant 0 : i32
        %dma_start3A_63 = tpu.memref_slice %arg14[%dma_start3A_61, %dma_start3A_62] : memref<10000x128xf32, #tpu.memory_space<vmem_shared>> -> memref<16x128xf32, #tpu.memory_space<vmem_shared>>
        tpu.enqueue_dma source(%dma_start3A_63 : memref<16x128xf32, #tpu.memory_space<vmem_shared>>) target(%dma_start3A_60 : memref<16x128xf32, #tpu.memory_space<hbm>>) target_semaphore(%run_scoped3A : memref<!tpu.dma_semaphore, #tpu.memory_space<semaphore_mem>>)
        %dma_wait3A_64 = arith.constant 0 : i32
        %dma_wait3A_65 = arith.constant 0 : i32
        %dma_wait3A_66 = tpu.memref_slice %arg6[%add3A_9, %dma_wait3A_64, %dma_wait3A_65] : memref<2x10000x128xf32, #tpu.memory_space<hbm>> -> memref<1x10000x128xf32, #tpu.memory_space<hbm>>
        %dma_wait3A_67 = tpu.memref_squeeze %dma_wait3A_66 : memref<1x10000x128xf32, #tpu.memory_space<hbm>> -> memref<10000x128xf32, #tpu.memory_space<hbm>>
        %dma_wait3A_68 = arith.constant 9984 : i32
        %dma_wait3A_69 = arith.constant 0 : i32
        %dma_wait3A_70 = tpu.memref_slice %dma_wait3A_67[%dma_wait3A_68, %dma_wait3A_69] : memref<10000x128xf32, #tpu.memory_space<hbm>> -> memref<16x128xf32, #tpu.memory_space<hbm>>
        %dma_wait3A_71 = arith.constant 9984 : i32
        %dma_wait3A_72 = arith.constant 0 : i32
        %dma_wait3A_73 = tpu.memref_slice %arg14[%dma_wait3A_71, %dma_wait3A_72] : memref<10000x128xf32, #tpu.memory_space<vmem_shared>> -> memref<16x128xf32, #tpu.memory_space<vmem_shared>>
        tpu.wait_dma2 semaphore(%run_scoped3A : memref<!tpu.dma_semaphore, #tpu.memory_space<semaphore_mem>>) src(%dma_wait3A_73 : memref<16x128xf32, #tpu.memory_space<vmem_shared>>) dst(%dma_wait3A_70 : memref<16x128xf32, #tpu.memory_space<hbm>>)
        tpu.yield
      }) : () -> ()
    } else {
    }
    %eq3A_49 = arith.constant 0 : i32
    %eq3A_50 = arith.cmpi eq, %arg0, %eq3A_49 : i32
    %convert_element_type3A_51 = arith.extui %eq3A_50 : i1 to i32
    %cond3A_52 = arith.constant 0 : i32
    %cond3A_53 = arith.cmpi ne, %convert_element_type3A_51, %cond3A_52 : i32
    scf.if %cond3A_53 {
      %mul3A_54 = arith.constant 10000 : i32
      %mul3A_55 = arith.muli %arg1, %mul3A_54 : i32
      "tpu.region"() ({
        %run_scoped3A = tpu.sem_alloc : memref<!tpu.dma_semaphore, #tpu.memory_space<semaphore_mem>>
        %dma_start3A_56 = tpu.memref_slice %arg7[%mul3A_55] : memref<160000xf32, #tpu.memory_space<hbm>> -> memref<10000xf32, #tpu.memory_space<hbm>>
        %dma_start3A_57 = tpu.memref_slice %arg7[%mul3A_55] : memref<160000xf32, #tpu.memory_space<hbm>> -> memref<10000xf32, #tpu.memory_space<hbm>>
        tpu.enqueue_dma source(%arg19 : memref<10000xf32, #tpu.memory_space<vmem>>) target(%dma_start3A_57 : memref<10000xf32, #tpu.memory_space<hbm>>) target_semaphore(%run_scoped3A : memref<!tpu.dma_semaphore, #tpu.memory_space<semaphore_mem>>)
        %dma_wait3A_58 = tpu.memref_slice %arg7[%mul3A_55] : memref<160000xf32, #tpu.memory_space<hbm>> -> memref<10000xf32, #tpu.memory_space<hbm>>
        %dma_wait3A_59 = tpu.memref_slice %arg7[%mul3A_55] : memref<160000xf32, #tpu.memory_space<hbm>> -> memref<10000xf32, #tpu.memory_space<hbm>>
        tpu.wait_dma2 semaphore(%run_scoped3A : memref<!tpu.dma_semaphore, #tpu.memory_space<semaphore_mem>>) src(%arg19 : memref<10000xf32, #tpu.memory_space<vmem>>) dst(%dma_wait3A_59 : memref<10000xf32, #tpu.memory_space<hbm>>)
        tpu.yield
      }) : () -> ()
    } else {
    }
    return
  }
}

#map = affine_map<(d0, d1) -> (0, 0, 0)>
#map1 = affine_map<(d0, d1) -> (0)>
#map2 = affine_map<(d0, d1) -> (0, 0)>
module attributes {stable_mosaic.version = 14 : i64} {
  func.func @seg_kernel(%arg0: i32, %arg1: i32, %arg2: memref<4x10000x128xf32, #tpu.memory_space<hbm>>, %arg3: memref<160000xi32, #tpu.memory_space<hbm>>, %arg4: memref<160000xi32, #tpu.memory_space<hbm>>, %arg5: memref<10000x128xf32, #tpu.memory_space<hbm>>, %arg6: memref<4x10000x128xf32, #tpu.memory_space<hbm>>, %arg7: memref<10000xi32, #tpu.memory_space<vmem>>, %arg8: memref<10000xi32, #tpu.memory_space<vmem>>, %arg9: memref<80x128xf32, #tpu.memory_space<vmem>>, %arg10: memref<80x128xf32, #tpu.memory_space<vmem>>, %arg11: memref<80xi32, #tpu.memory_space<vmem>>, %arg12: memref<80xi32, #tpu.memory_space<vmem>>, %arg13: memref<10000x128xf32, #tpu.memory_space<vmem_shared>>, %arg14: memref<!tpu.dma_semaphore, #tpu.memory_space<semaphore_mem>>, %arg15: memref<!tpu.dma_semaphore, #tpu.memory_space<semaphore_mem>>, %arg16: memref<!tpu.dma_semaphore, #tpu.memory_space<semaphore_mem>>, %arg17: memref<!tpu.dma_semaphore, #tpu.memory_space<semaphore_mem>>) attributes {dimension_semantics = [#tpu.dimension_semantics<core_parallel>, #tpu.dimension_semantics<subcore_parallel>], iteration_bounds = array<i64: 2, 16>, scalar_prefetch = 0 : i64, scratch_operands = 11 : i64, tpu.core_type = #tpu.core_type<sc_vector_subcore>, window_params = [{transform_indices = #map}, {transform_indices = #map1}, {transform_indices = #map1}, {transform_indices = #map2}, {transform_indices = #map}]} {
    %mul3A = arith.constant 624 : i32
    %mul3A_0 = arith.muli %arg1, %mul3A : i32
    %mul3A_1 = arith.constant 10000 : i32
    %mul3A_2 = arith.muli %arg1, %mul3A_1 : i32
    "tpu.region"() ({
      %run_scoped3A = tpu.sem_alloc : memref<!tpu.dma_semaphore, #tpu.memory_space<semaphore_mem>>
      %dma_start3A_94 = tpu.memref_slice %arg3[%mul3A_2] : memref<160000xi32, #tpu.memory_space<hbm>> -> memref<10000xi32, #tpu.memory_space<hbm>>
      %dma_start3A_95 = tpu.memref_slice %arg3[%mul3A_2] : memref<160000xi32, #tpu.memory_space<hbm>> -> memref<10000xi32, #tpu.memory_space<hbm>>
      tpu.enqueue_dma source(%dma_start3A_95 : memref<10000xi32, #tpu.memory_space<hbm>>) target(%arg7 : memref<10000xi32, #tpu.memory_space<vmem>>) target_semaphore(%run_scoped3A : memref<!tpu.dma_semaphore, #tpu.memory_space<semaphore_mem>>)
      %dma_wait3A_96 = tpu.memref_slice %arg3[%mul3A_2] : memref<160000xi32, #tpu.memory_space<hbm>> -> memref<10000xi32, #tpu.memory_space<hbm>>
      %dma_wait3A_97 = tpu.memref_slice %arg3[%mul3A_2] : memref<160000xi32, #tpu.memory_space<hbm>> -> memref<10000xi32, #tpu.memory_space<hbm>>
      tpu.wait_dma2 semaphore(%run_scoped3A : memref<!tpu.dma_semaphore, #tpu.memory_space<semaphore_mem>>) src(%dma_wait3A_97 : memref<10000xi32, #tpu.memory_space<hbm>>) dst(%arg7 : memref<10000xi32, #tpu.memory_space<vmem>>)
      tpu.yield
    }) : () -> ()
    "tpu.region"() ({
      %run_scoped3A = tpu.sem_alloc : memref<!tpu.dma_semaphore, #tpu.memory_space<semaphore_mem>>
      %dma_start3A_94 = tpu.memref_slice %arg4[%mul3A_2] : memref<160000xi32, #tpu.memory_space<hbm>> -> memref<10000xi32, #tpu.memory_space<hbm>>
      %dma_start3A_95 = tpu.memref_slice %arg4[%mul3A_2] : memref<160000xi32, #tpu.memory_space<hbm>> -> memref<10000xi32, #tpu.memory_space<hbm>>
      tpu.enqueue_dma source(%dma_start3A_95 : memref<10000xi32, #tpu.memory_space<hbm>>) target(%arg8 : memref<10000xi32, #tpu.memory_space<vmem>>) target_semaphore(%run_scoped3A : memref<!tpu.dma_semaphore, #tpu.memory_space<semaphore_mem>>)
      %dma_wait3A_96 = tpu.memref_slice %arg4[%mul3A_2] : memref<160000xi32, #tpu.memory_space<hbm>> -> memref<10000xi32, #tpu.memory_space<hbm>>
      %dma_wait3A_97 = tpu.memref_slice %arg4[%mul3A_2] : memref<160000xi32, #tpu.memory_space<hbm>> -> memref<10000xi32, #tpu.memory_space<hbm>>
      tpu.wait_dma2 semaphore(%run_scoped3A : memref<!tpu.dma_semaphore, #tpu.memory_space<semaphore_mem>>) src(%dma_wait3A_97 : memref<10000xi32, #tpu.memory_space<hbm>>) dst(%arg8 : memref<10000xi32, #tpu.memory_space<vmem>>)
      tpu.yield
    }) : () -> ()
    %mul3A_3 = arith.constant 2 : i32
    %mul3A_4 = arith.muli %arg0, %mul3A_3 : i32
    %add3A = arith.constant 0 : i32
    %add3A_5 = arith.addi %mul3A_4, %add3A : i32
    "tpu.region"() ({
      %run_scoped3A = tpu.sem_alloc : memref<!tpu.dma_semaphore, #tpu.memory_space<semaphore_mem>>
      %dma_start3A_94 = arith.constant 0 : i32
      %dma_start3A_95 = tpu.memref_slice %arg13[%mul3A_0, %dma_start3A_94] : memref<10000x128xf32, #tpu.memory_space<vmem_shared>> -> memref<624x128xf32, #tpu.memory_space<vmem_shared>>
      %dma_start3A_96 = arith.constant 0 : i32
      %dma_start3A_97 = tpu.memref_slice %arg5[%mul3A_0, %dma_start3A_96] : memref<10000x128xf32, #tpu.memory_space<hbm>> -> memref<624x128xf32, #tpu.memory_space<hbm>>
      tpu.enqueue_dma source(%dma_start3A_97 : memref<624x128xf32, #tpu.memory_space<hbm>>) target(%dma_start3A_95 : memref<624x128xf32, #tpu.memory_space<vmem_shared>>) target_semaphore(%run_scoped3A : memref<!tpu.dma_semaphore, #tpu.memory_space<semaphore_mem>>)
      %dma_wait3A_98 = arith.constant 0 : i32
      %dma_wait3A_99 = tpu.memref_slice %arg13[%mul3A_0, %dma_wait3A_98] : memref<10000x128xf32, #tpu.memory_space<vmem_shared>> -> memref<624x128xf32, #tpu.memory_space<vmem_shared>>
      %dma_wait3A_100 = arith.constant 0 : i32
      %dma_wait3A_101 = tpu.memref_slice %arg5[%mul3A_0, %dma_wait3A_100] : memref<10000x128xf32, #tpu.memory_space<hbm>> -> memref<624x128xf32, #tpu.memory_space<hbm>>
      tpu.wait_dma2 semaphore(%run_scoped3A : memref<!tpu.dma_semaphore, #tpu.memory_space<semaphore_mem>>) src(%dma_wait3A_101 : memref<624x128xf32, #tpu.memory_space<hbm>>) dst(%dma_wait3A_99 : memref<624x128xf32, #tpu.memory_space<vmem_shared>>)
      tpu.yield
    }) : () -> ()
    %eq3A = arith.constant 15 : i32
    %eq3A_6 = arith.cmpi eq, %arg1, %eq3A : i32
    %convert_element_type3A = arith.extui %eq3A_6 : i1 to i32
    %cond3A = arith.constant 0 : i32
    %cond3A_7 = arith.cmpi ne, %convert_element_type3A, %cond3A : i32
    scf.if %cond3A_7 {
      "tpu.region"() ({
        %run_scoped3A = tpu.sem_alloc : memref<!tpu.dma_semaphore, #tpu.memory_space<semaphore_mem>>
        %dma_start3A_94 = arith.constant 9984 : i32
        %dma_start3A_95 = arith.constant 0 : i32
        %dma_start3A_96 = tpu.memref_slice %arg13[%dma_start3A_94, %dma_start3A_95] : memref<10000x128xf32, #tpu.memory_space<vmem_shared>> -> memref<16x128xf32, #tpu.memory_space<vmem_shared>>
        %dma_start3A_97 = arith.constant 9984 : i32
        %dma_start3A_98 = arith.constant 0 : i32
        %dma_start3A_99 = tpu.memref_slice %arg5[%dma_start3A_97, %dma_start3A_98] : memref<10000x128xf32, #tpu.memory_space<hbm>> -> memref<16x128xf32, #tpu.memory_space<hbm>>
        tpu.enqueue_dma source(%dma_start3A_99 : memref<16x128xf32, #tpu.memory_space<hbm>>) target(%dma_start3A_96 : memref<16x128xf32, #tpu.memory_space<vmem_shared>>) target_semaphore(%run_scoped3A : memref<!tpu.dma_semaphore, #tpu.memory_space<semaphore_mem>>)
        %dma_wait3A_100 = arith.constant 9984 : i32
        %dma_wait3A_101 = arith.constant 0 : i32
        %dma_wait3A_102 = tpu.memref_slice %arg13[%dma_wait3A_100, %dma_wait3A_101] : memref<10000x128xf32, #tpu.memory_space<vmem_shared>> -> memref<16x128xf32, #tpu.memory_space<vmem_shared>>
        %dma_wait3A_103 = arith.constant 9984 : i32
        %dma_wait3A_104 = arith.constant 0 : i32
        %dma_wait3A_105 = tpu.memref_slice %arg5[%dma_wait3A_103, %dma_wait3A_104] : memref<10000x128xf32, #tpu.memory_space<hbm>> -> memref<16x128xf32, #tpu.memory_space<hbm>>
        tpu.wait_dma2 semaphore(%run_scoped3A : memref<!tpu.dma_semaphore, #tpu.memory_space<semaphore_mem>>) src(%dma_wait3A_105 : memref<16x128xf32, #tpu.memory_space<hbm>>) dst(%dma_wait3A_102 : memref<16x128xf32, #tpu.memory_space<vmem_shared>>)
        tpu.yield
      }) : () -> ()
    } else {
    }
    %barrier3A = arith.constant 0 : index
    tpu.barrier barrier_id(%barrier3A)
    %dma_start3A = arith.constant 0 : i32
    %dma_start3A_8 = tpu.memref_slice %arg7[%dma_start3A] : memref<10000xi32, #tpu.memory_space<vmem>> -> memref<80xi32, #tpu.memory_space<vmem>>
    %dma_start3A_9 = arith.constant 0 : i32
    %dma_start3A_10 = arith.constant 0 : i32
    %dma_start3A_11 = tpu.memref_slice %arg2[%add3A_5, %dma_start3A_9, %dma_start3A_10] : memref<4x10000x128xf32, #tpu.memory_space<hbm>> -> memref<1x10000x128xf32, #tpu.memory_space<hbm>>
    %dma_start3A_12 = tpu.memref_squeeze %dma_start3A_11 : memref<1x10000x128xf32, #tpu.memory_space<hbm>> -> memref<10000x128xf32, #tpu.memory_space<hbm>>
    %dma_start3A_13 = arith.constant 0 : i32
    %dma_start3A_14 = arith.constant 0 : i32
    %dma_start3A_15 = tpu.memref_slice %dma_start3A_12[%dma_start3A_13, %dma_start3A_14] : memref<10000x128xf32, #tpu.memory_space<hbm>> -> memref<10000x128xf32, #tpu.memory_space<hbm>>
    tpu.enqueue_indirect_dma source(%dma_start3A_15 : memref<10000x128xf32, #tpu.memory_space<hbm>>) target(%arg9 : memref<80x128xf32, #tpu.memory_space<vmem>>) offsets(%dma_start3A_8 : memref<80xi32, #tpu.memory_space<vmem>>) semaphore(%arg14 : memref<!tpu.dma_semaphore, #tpu.memory_space<semaphore_mem>>)
    %scan3A = arith.constant 0 : i32
    %scan3A_16 = arith.constant 62 : i32
    %scan3A_17 = arith.addi %scan3A, %scan3A_16 : i32
    %scan3A_18 = arith.constant 1 : i32
    scf.for %scan3A_94 = %scan3A to %scan3A_17 step %scan3A_18  : i32 {
      %mul3A_95 = arith.constant 2 : i32
      %mul3A_96 = arith.muli %scan3A_94, %mul3A_95 : i32
      %add3A_97 = arith.constant 0 : i32
      %add3A_98 = arith.addi %add3A_97, %mul3A_96 : i32
      %add3A_99 = arith.constant 1 : i32
      %add3A_100 = arith.addi %add3A_98, %add3A_99 : i32
      %mul3A_101 = arith.constant 80 : i32
      %mul3A_102 = arith.muli %add3A_100, %mul3A_101 : i32
      %dma_start3A_103 = tpu.memref_slice %arg7[%mul3A_102] : memref<10000xi32, #tpu.memory_space<vmem>> -> memref<80xi32, #tpu.memory_space<vmem>>
      %dma_start3A_104 = arith.constant 0 : i32
      %dma_start3A_105 = arith.constant 0 : i32
      %dma_start3A_106 = tpu.memref_slice %arg2[%add3A_5, %dma_start3A_104, %dma_start3A_105] : memref<4x10000x128xf32, #tpu.memory_space<hbm>> -> memref<1x10000x128xf32, #tpu.memory_space<hbm>>
      %dma_start3A_107 = tpu.memref_squeeze %dma_start3A_106 : memref<1x10000x128xf32, #tpu.memory_space<hbm>> -> memref<10000x128xf32, #tpu.memory_space<hbm>>
      %dma_start3A_108 = arith.constant 0 : i32
      %dma_start3A_109 = arith.constant 0 : i32
      %dma_start3A_110 = tpu.memref_slice %dma_start3A_107[%dma_start3A_108, %dma_start3A_109] : memref<10000x128xf32, #tpu.memory_space<hbm>> -> memref<10000x128xf32, #tpu.memory_space<hbm>>
      tpu.enqueue_indirect_dma source(%dma_start3A_110 : memref<10000x128xf32, #tpu.memory_space<hbm>>) target(%arg10 : memref<80x128xf32, #tpu.memory_space<vmem>>) offsets(%dma_start3A_103 : memref<80xi32, #tpu.memory_space<vmem>>) semaphore(%arg15 : memref<!tpu.dma_semaphore, #tpu.memory_space<semaphore_mem>>)
      %scan3A_111 = arith.constant 0 : i32
      %scan3A_112 = arith.constant 5 : i32
      %scan3A_113 = arith.addi %scan3A_111, %scan3A_112 : i32
      %scan3A_114 = arith.constant 1 : i32
      scf.for %scan3A_163 = %scan3A_111 to %scan3A_113 step %scan3A_114  : i32 {
        %mul3A_164 = arith.constant 1 : i32
        %mul3A_165 = arith.muli %scan3A_163, %mul3A_164 : i32
        %add3A_166 = arith.constant 0 : i32
        %add3A_167 = arith.addi %add3A_166, %mul3A_165 : i32
        %mul3A_168 = arith.constant 80 : i32
        %mul3A_169 = arith.muli %add3A_98, %mul3A_168 : i32
        %mul3A_170 = arith.constant 16 : i32
        %mul3A_171 = arith.muli %add3A_167, %mul3A_170 : i32
        %add3A_172 = arith.addi %mul3A_169, %mul3A_171 : i32
        %get3A = arith.index_cast %add3A_172 : i32 to index
        %get3A_173 = tpu.vector_load %arg8[%get3A] {strides = array<i32>} : memref<10000xi32, #tpu.memory_space<vmem>>, vector<16xi32>,
        %mul3A_174 = arith.constant 16 : i32
        %mul3A_175 = arith.muli %add3A_167, %mul3A_174 : i32
        %swap3A = arith.index_cast %mul3A_175 : i32 to index
        %swap3A_176 = tpu.vector_load %arg11[%swap3A] {strides = array<i32>} : memref<80xi32, #tpu.memory_space<vmem>>, vector<16xi32>,
        tpu.vector_store %arg11[%swap3A], %get3A_173 {strides = array<i32>} : memref<80xi32, #tpu.memory_space<vmem>>, vector<16xi32>,
      }
      %scan3A_115 = arith.constant 5 : i32
      %dma_wait3A_116 = arith.constant 0 : i32
      %dma_wait3A_117 = arith.constant 0 : i32
      %dma_wait3A_118 = tpu.memref_slice %arg2[%add3A_5, %dma_wait3A_116, %dma_wait3A_117] : memref<4x10000x128xf32, #tpu.memory_space<hbm>> -> memref<1x10000x128xf32, #tpu.memory_space<hbm>>
      %dma_wait3A_119 = tpu.memref_squeeze %dma_wait3A_118 : memref<1x10000x128xf32, #tpu.memory_space<hbm>> -> memref<10000x128xf32, #tpu.memory_space<hbm>>
      %dma_wait3A_120 = arith.constant 0 : i32
      %dma_wait3A_121 = arith.constant 0 : i32
      %dma_wait3A_122 = tpu.memref_slice %dma_wait3A_119[%dma_wait3A_120, %dma_wait3A_121] : memref<10000x128xf32, #tpu.memory_space<hbm>> -> memref<80x128xf32, #tpu.memory_space<hbm>>
      %dma_wait3A_123 = arith.constant 0 : i32
      %dma_wait3A_124 = arith.constant 0 : i32
      %dma_wait3A_125 = tpu.memref_slice %arg2[%add3A_5, %dma_wait3A_123, %dma_wait3A_124] : memref<4x10000x128xf32, #tpu.memory_space<hbm>> -> memref<1x10000x128xf32, #tpu.memory_space<hbm>>
      %dma_wait3A_126 = tpu.memref_squeeze %dma_wait3A_125 : memref<1x10000x128xf32, #tpu.memory_space<hbm>> -> memref<10000x128xf32, #tpu.memory_space<hbm>>
      %dma_wait3A_127 = arith.constant 0 : i32
      %dma_wait3A_128 = arith.constant 0 : i32
      %dma_wait3A_129 = tpu.memref_slice %dma_wait3A_126[%dma_wait3A_127, %dma_wait3A_128] : memref<10000x128xf32, #tpu.memory_space<hbm>> -> memref<80x128xf32, #tpu.memory_space<hbm>>
      tpu.wait_dma2 semaphore(%arg14 : memref<!tpu.dma_semaphore, #tpu.memory_space<semaphore_mem>>) src(%dma_wait3A_129 : memref<80x128xf32, #tpu.memory_space<hbm>>) dst(%arg9 : memref<80x128xf32, #tpu.memory_space<vmem>>)
      "tpu.region"() ({
        %run_scoped3A = tpu.sem_alloc : memref<!tpu.dma_semaphore, #tpu.memory_space<semaphore_mem>>
        %dma_start3A_163 = arith.constant 0 : i32
        %dma_start3A_164 = arith.constant 0 : i32
        %dma_start3A_165 = tpu.memref_slice %arg13[%dma_start3A_163, %dma_start3A_164] : memref<10000x128xf32, #tpu.memory_space<vmem_shared>> -> memref<10000x128xf32, #tpu.memory_space<vmem_shared>>
        tpu.enqueue_indirect_dma source(%arg9 : memref<80x128xf32, #tpu.memory_space<vmem>>) target(%dma_start3A_165 : memref<10000x128xf32, #tpu.memory_space<vmem_shared>>) offsets(%arg11 : memref<80xi32, #tpu.memory_space<vmem>>) semaphore(%run_scoped3A : memref<!tpu.dma_semaphore, #tpu.memory_space<semaphore_mem>>) {add = true}
        %dma_wait3A_166 = arith.constant 0 : i32
        %dma_wait3A_167 = arith.constant 0 : i32
        %dma_wait3A_168 = tpu.memref_slice %arg13[%dma_wait3A_166, %dma_wait3A_167] : memref<10000x128xf32, #tpu.memory_space<vmem_shared>> -> memref<10000x128xf32, #tpu.memory_space<vmem_shared>>
        tpu.wait_indirect_dma semaphore(%run_scoped3A : memref<!tpu.dma_semaphore, #tpu.memory_space<semaphore_mem>>) src(%arg9 : memref<80x128xf32, #tpu.memory_space<vmem>>) dst(%dma_wait3A_168 : memref<10000x128xf32, #tpu.memory_space<vmem_shared>>)
        tpu.yield
      }) : () -> ()
      %add3A_130 = arith.constant 2 : i32
      %add3A_131 = arith.addi %add3A_98, %add3A_130 : i32
      %mul3A_132 = arith.constant 80 : i32
      %mul3A_133 = arith.muli %add3A_131, %mul3A_132 : i32
      %dma_start3A_134 = tpu.memref_slice %arg7[%mul3A_133] : memref<10000xi32, #tpu.memory_space<vmem>> -> memref<80xi32, #tpu.memory_space<vmem>>
      %dma_start3A_135 = arith.constant 0 : i32
      %dma_start3A_136 = arith.constant 0 : i32
      %dma_start3A_137 = tpu.memref_slice %arg2[%add3A_5, %dma_start3A_135, %dma_start3A_136] : memref<4x10000x128xf32, #tpu.memory_space<hbm>> -> memref<1x10000x128xf32, #tpu.memory_space<hbm>>
      %dma_start3A_138 = tpu.memref_squeeze %dma_start3A_137 : memref<1x10000x128xf32, #tpu.memory_space<hbm>> -> memref<10000x128xf32, #tpu.memory_space<hbm>>
      %dma_start3A_139 = arith.constant 0 : i32
      %dma_start3A_140 = arith.constant 0 : i32
      %dma_start3A_141 = tpu.memref_slice %dma_start3A_138[%dma_start3A_139, %dma_start3A_140] : memref<10000x128xf32, #tpu.memory_space<hbm>> -> memref<10000x128xf32, #tpu.memory_space<hbm>>
      tpu.enqueue_indirect_dma source(%dma_start3A_141 : memref<10000x128xf32, #tpu.memory_space<hbm>>) target(%arg9 : memref<80x128xf32, #tpu.memory_space<vmem>>) offsets(%dma_start3A_134 : memref<80xi32, #tpu.memory_space<vmem>>) semaphore(%arg14 : memref<!tpu.dma_semaphore, #tpu.memory_space<semaphore_mem>>)
      %add3A_142 = arith.constant 1 : i32
      %add3A_143 = arith.addi %add3A_98, %add3A_142 : i32
      %scan3A_144 = arith.constant 0 : i32
      %scan3A_145 = arith.constant 5 : i32
      %scan3A_146 = arith.addi %scan3A_144, %scan3A_145 : i32
      %scan3A_147 = arith.constant 1 : i32
      scf.for %scan3A_163 = %scan3A_144 to %scan3A_146 step %scan3A_147  : i32 {
        %mul3A_164 = arith.constant 1 : i32
        %mul3A_165 = arith.muli %scan3A_163, %mul3A_164 : i32
        %add3A_166 = arith.constant 0 : i32
        %add3A_167 = arith.addi %add3A_166, %mul3A_165 : i32
        %mul3A_168 = arith.constant 80 : i32
        %mul3A_169 = arith.muli %add3A_143, %mul3A_168 : i32
        %mul3A_170 = arith.constant 16 : i32
        %mul3A_171 = arith.muli %add3A_167, %mul3A_170 : i32
        %add3A_172 = arith.addi %mul3A_169, %mul3A_171 : i32
        %get3A = arith.index_cast %add3A_172 : i32 to index
        %get3A_173 = tpu.vector_load %arg8[%get3A] {strides = array<i32>} : memref<10000xi32, #tpu.memory_space<vmem>>, vector<16xi32>,
        %mul3A_174 = arith.constant 16 : i32
        %mul3A_175 = arith.muli %add3A_167, %mul3A_174 : i32
        %swap3A = arith.index_cast %mul3A_175 : i32 to index
        %swap3A_176 = tpu.vector_load %arg12[%swap3A] {strides = array<i32>} : memref<80xi32, #tpu.memory_space<vmem>>, vector<16xi32>,
        tpu.vector_store %arg12[%swap3A], %get3A_173 {strides = array<i32>} : memref<80xi32, #tpu.memory_space<vmem>>, vector<16xi32>,
      }
      %scan3A_148 = arith.constant 5 : i32
      %dma_wait3A_149 = arith.constant 0 : i32
      %dma_wait3A_150 = arith.constant 0 : i32
      %dma_wait3A_151 = tpu.memref_slice %arg2[%add3A_5, %dma_wait3A_149, %dma_wait3A_150] : memref<4x10000x128xf32, #tpu.memory_space<hbm>> -> memref<1x10000x128xf32, #tpu.memory_space<hbm>>
      %dma_wait3A_152 = tpu.memref_squeeze %dma_wait3A_151 : memref<1x10000x128xf32, #tpu.memory_space<hbm>> -> memref<10000x128xf32, #tpu.memory_space<hbm>>
      %dma_wait3A_153 = arith.constant 0 : i32
      %dma_wait3A_154 = arith.constant 0 : i32
      %dma_wait3A_155 = tpu.memref_slice %dma_wait3A_152[%dma_wait3A_153, %dma_wait3A_154] : memref<10000x128xf32, #tpu.memory_space<hbm>> -> memref<80x128xf32, #tpu.memory_space<hbm>>
      %dma_wait3A_156 = arith.constant 0 : i32
      %dma_wait3A_157 = arith.constant 0 : i32
      %dma_wait3A_158 = tpu.memref_slice %arg2[%add3A_5, %dma_wait3A_156, %dma_wait3A_157] : memref<4x10000x128xf32, #tpu.memory_space<hbm>> -> memref<1x10000x128xf32, #tpu.memory_space<hbm>>
      %dma_wait3A_159 = tpu.memref_squeeze %dma_wait3A_158 : memref<1x10000x128xf32, #tpu.memory_space<hbm>> -> memref<10000x128xf32, #tpu.memory_space<hbm>>
      %dma_wait3A_160 = arith.constant 0 : i32
      %dma_wait3A_161 = arith.constant 0 : i32
      %dma_wait3A_162 = tpu.memref_slice %dma_wait3A_159[%dma_wait3A_160, %dma_wait3A_161] : memref<10000x128xf32, #tpu.memory_space<hbm>> -> memref<80x128xf32, #tpu.memory_space<hbm>>
      tpu.wait_dma2 semaphore(%arg15 : memref<!tpu.dma_semaphore, #tpu.memory_space<semaphore_mem>>) src(%dma_wait3A_162 : memref<80x128xf32, #tpu.memory_space<hbm>>) dst(%arg10 : memref<80x128xf32, #tpu.memory_space<vmem>>)
      "tpu.region"() ({
        %run_scoped3A = tpu.sem_alloc : memref<!tpu.dma_semaphore, #tpu.memory_space<semaphore_mem>>
        %dma_start3A_163 = arith.constant 0 : i32
        %dma_start3A_164 = arith.constant 0 : i32
        %dma_start3A_165 = tpu.memref_slice %arg13[%dma_start3A_163, %dma_start3A_164] : memref<10000x128xf32, #tpu.memory_space<vmem_shared>> -> memref<10000x128xf32, #tpu.memory_space<vmem_shared>>
        tpu.enqueue_indirect_dma source(%arg10 : memref<80x128xf32, #tpu.memory_space<vmem>>) target(%dma_start3A_165 : memref<10000x128xf32, #tpu.memory_space<vmem_shared>>) offsets(%arg12 : memref<80xi32, #tpu.memory_space<vmem>>) semaphore(%run_scoped3A : memref<!tpu.dma_semaphore, #tpu.memory_space<semaphore_mem>>) {add = true}
        %dma_wait3A_166 = arith.constant 0 : i32
        %dma_wait3A_167 = arith.constant 0 : i32
        %dma_wait3A_168 = tpu.memref_slice %arg13[%dma_wait3A_166, %dma_wait3A_167] : memref<10000x128xf32, #tpu.memory_space<vmem_shared>> -> memref<10000x128xf32, #tpu.memory_space<vmem_shared>>
        tpu.wait_indirect_dma semaphore(%run_scoped3A : memref<!tpu.dma_semaphore, #tpu.memory_space<semaphore_mem>>) src(%arg10 : memref<80x128xf32, #tpu.memory_space<vmem>>) dst(%dma_wait3A_168 : memref<10000x128xf32, #tpu.memory_space<vmem_shared>>)
        tpu.yield
      }) : () -> ()
    }
    %scan3A_19 = arith.constant 62 : i32
    %scan3A_20 = arith.constant 0 : i32
    %scan3A_21 = arith.constant 5 : i32
    %scan3A_22 = arith.addi %scan3A_20, %scan3A_21 : i32
    %scan3A_23 = arith.constant 1 : i32
    scf.for %scan3A_94 = %scan3A_20 to %scan3A_22 step %scan3A_23  : i32 {
      %mul3A_95 = arith.constant 1 : i32
      %mul3A_96 = arith.muli %scan3A_94, %mul3A_95 : i32
      %add3A_97 = arith.constant 0 : i32
      %add3A_98 = arith.addi %add3A_97, %mul3A_96 : i32
      %mul3A_99 = arith.constant 16 : i32
      %mul3A_100 = arith.muli %add3A_98, %mul3A_99 : i32
      %add3A_101 = arith.constant 9920 : i32
      %add3A_102 = arith.addi %add3A_101, %mul3A_100 : i32
      %get3A = arith.index_cast %add3A_102 : i32 to index
      %get3A_103 = tpu.vector_load %arg8[%get3A] {strides = array<i32>} : memref<10000xi32, #tpu.memory_space<vmem>>, vector<16xi32>,
      %mul3A_104 = arith.constant 16 : i32
      %mul3A_105 = arith.muli %add3A_98, %mul3A_104 : i32
      %swap3A = arith.index_cast %mul3A_105 : i32 to index
      %swap3A_106 = tpu.vector_load %arg11[%swap3A] {strides = array<i32>} : memref<80xi32, #tpu.memory_space<vmem>>, vector<16xi32>,
      tpu.vector_store %arg11[%swap3A], %get3A_103 {strides = array<i32>} : memref<80xi32, #tpu.memory_space<vmem>>, vector<16xi32>,
    }
    %scan3A_24 = arith.constant 5 : i32
    %dma_wait3A = arith.constant 0 : i32
    %dma_wait3A_25 = arith.constant 0 : i32
    %dma_wait3A_26 = tpu.memref_slice %arg2[%add3A_5, %dma_wait3A, %dma_wait3A_25] : memref<4x10000x128xf32, #tpu.memory_space<hbm>> -> memref<1x10000x128xf32, #tpu.memory_space<hbm>>
    %dma_wait3A_27 = tpu.memref_squeeze %dma_wait3A_26 : memref<1x10000x128xf32, #tpu.memory_space<hbm>> -> memref<10000x128xf32, #tpu.memory_space<hbm>>
    %dma_wait3A_28 = arith.constant 0 : i32
    %dma_wait3A_29 = arith.constant 0 : i32
    %dma_wait3A_30 = tpu.memref_slice %dma_wait3A_27[%dma_wait3A_28, %dma_wait3A_29] : memref<10000x128xf32, #tpu.memory_space<hbm>> -> memref<80x128xf32, #tpu.memory_space<hbm>>
    %dma_wait3A_31 = arith.constant 0 : i32
    %dma_wait3A_32 = arith.constant 0 : i32
    %dma_wait3A_33 = tpu.memref_slice %arg2[%add3A_5, %dma_wait3A_31, %dma_wait3A_32] : memref<4x10000x128xf32, #tpu.memory_space<hbm>> -> memref<1x10000x128xf32, #tpu.memory_space<hbm>>
    %dma_wait3A_34 = tpu.memref_squeeze %dma_wait3A_33 : memref<1x10000x128xf32, #tpu.memory_space<hbm>> -> memref<10000x128xf32, #tpu.memory_space<hbm>>
    %dma_wait3A_35 = arith.constant 0 : i32
    %dma_wait3A_36 = arith.constant 0 : i32
    %dma_wait3A_37 = tpu.memref_slice %dma_wait3A_34[%dma_wait3A_35, %dma_wait3A_36] : memref<10000x128xf32, #tpu.memory_space<hbm>> -> memref<80x128xf32, #tpu.memory_space<hbm>>
    tpu.wait_dma2 semaphore(%arg14 : memref<!tpu.dma_semaphore, #tpu.memory_space<semaphore_mem>>) src(%dma_wait3A_37 : memref<80x128xf32, #tpu.memory_space<hbm>>) dst(%arg9 : memref<80x128xf32, #tpu.memory_space<vmem>>)
    "tpu.region"() ({
      %run_scoped3A = tpu.sem_alloc : memref<!tpu.dma_semaphore, #tpu.memory_space<semaphore_mem>>
      %dma_start3A_94 = arith.constant 0 : i32
      %dma_start3A_95 = arith.constant 0 : i32
      %dma_start3A_96 = tpu.memref_slice %arg13[%dma_start3A_94, %dma_start3A_95] : memref<10000x128xf32, #tpu.memory_space<vmem_shared>> -> memref<10000x128xf32, #tpu.memory_space<vmem_shared>>
      tpu.enqueue_indirect_dma source(%arg9 : memref<80x128xf32, #tpu.memory_space<vmem>>) target(%dma_start3A_96 : memref<10000x128xf32, #tpu.memory_space<vmem_shared>>) offsets(%arg11 : memref<80xi32, #tpu.memory_space<vmem>>) semaphore(%run_scoped3A : memref<!tpu.dma_semaphore, #tpu.memory_space<semaphore_mem>>) {add = true}
      %dma_wait3A_97 = arith.constant 0 : i32
      %dma_wait3A_98 = arith.constant 0 : i32
      %dma_wait3A_99 = tpu.memref_slice %arg13[%dma_wait3A_97, %dma_wait3A_98] : memref<10000x128xf32, #tpu.memory_space<vmem_shared>> -> memref<10000x128xf32, #tpu.memory_space<vmem_shared>>
      tpu.wait_indirect_dma semaphore(%run_scoped3A : memref<!tpu.dma_semaphore, #tpu.memory_space<semaphore_mem>>) src(%arg9 : memref<80x128xf32, #tpu.memory_space<vmem>>) dst(%dma_wait3A_99 : memref<10000x128xf32, #tpu.memory_space<vmem_shared>>)
      tpu.yield
    }) : () -> ()
    %barrier3A_38 = arith.constant 0 : index
    tpu.barrier barrier_id(%barrier3A_38)
    "tpu.region"() ({
      %run_scoped3A = tpu.sem_alloc : memref<!tpu.dma_semaphore, #tpu.memory_space<semaphore_mem>>
      %dma_start3A_94 = arith.constant 0 : i32
      %dma_start3A_95 = arith.constant 0 : i32
      %dma_start3A_96 = tpu.memref_slice %arg6[%add3A_5, %dma_start3A_94, %dma_start3A_95] : memref<4x10000x128xf32, #tpu.memory_space<hbm>> -> memref<1x10000x128xf32, #tpu.memory_space<hbm>>
      %dma_start3A_97 = tpu.memref_squeeze %dma_start3A_96 : memref<1x10000x128xf32, #tpu.memory_space<hbm>> -> memref<10000x128xf32, #tpu.memory_space<hbm>>
      %dma_start3A_98 = arith.constant 0 : i32
      %dma_start3A_99 = tpu.memref_slice %dma_start3A_97[%mul3A_0, %dma_start3A_98] : memref<10000x128xf32, #tpu.memory_space<hbm>> -> memref<624x128xf32, #tpu.memory_space<hbm>>
      %dma_start3A_100 = arith.constant 0 : i32
      %dma_start3A_101 = tpu.memref_slice %arg13[%mul3A_0, %dma_start3A_100] : memref<10000x128xf32, #tpu.memory_space<vmem_shared>> -> memref<624x128xf32, #tpu.memory_space<vmem_shared>>
      tpu.enqueue_dma source(%dma_start3A_101 : memref<624x128xf32, #tpu.memory_space<vmem_shared>>) target(%dma_start3A_99 : memref<624x128xf32, #tpu.memory_space<hbm>>) target_semaphore(%run_scoped3A : memref<!tpu.dma_semaphore, #tpu.memory_space<semaphore_mem>>)
      %dma_wait3A_102 = arith.constant 0 : i32
      %dma_wait3A_103 = arith.constant 0 : i32
      %dma_wait3A_104 = tpu.memref_slice %arg6[%add3A_5, %dma_wait3A_102, %dma_wait3A_103] : memref<4x10000x128xf32, #tpu.memory_space<hbm>> -> memref<1x10000x128xf32, #tpu.memory_space<hbm>>
      %dma_wait3A_105 = tpu.memref_squeeze %dma_wait3A_104 : memref<1x10000x128xf32, #tpu.memory_space<hbm>> -> memref<10000x128xf32, #tpu.memory_space<hbm>>
      %dma_wait3A_106 = arith.constant 0 : i32
      %dma_wait3A_107 = tpu.memref_slice %dma_wait3A_105[%mul3A_0, %dma_wait3A_106] : memref<10000x128xf32, #tpu.memory_space<hbm>> -> memref<624x128xf32, #tpu.memory_space<hbm>>
      %dma_wait3A_108 = arith.constant 0 : i32
      %dma_wait3A_109 = tpu.memref_slice %arg13[%mul3A_0, %dma_wait3A_108] : memref<10000x128xf32, #tpu.memory_space<vmem_shared>> -> memref<624x128xf32, #tpu.memory_space<vmem_shared>>
      tpu.wait_dma2 semaphore(%run_scoped3A : memref<!tpu.dma_semaphore, #tpu.memory_space<semaphore_mem>>) src(%dma_wait3A_109 : memref<624x128xf32, #tpu.memory_space<vmem_shared>>) dst(%dma_wait3A_107 : memref<624x128xf32, #tpu.memory_space<hbm>>)
      tpu.yield
    }) : () -> ()
    %eq3A_39 = arith.constant 15 : i32
    %eq3A_40 = arith.cmpi eq, %arg1, %eq3A_39 : i32
    %convert_element_type3A_41 = arith.extui %eq3A_40 : i1 to i32
    %cond3A_42 = arith.constant 0 : i32
    %cond3A_43 = arith.cmpi ne, %convert_element_type3A_41, %cond3A_42 : i32
    scf.if %cond3A_43 {
      "tpu.region"() ({
        %run_scoped3A = tpu.sem_alloc : memref<!tpu.dma_semaphore, #tpu.memory_space<semaphore_mem>>
        %dma_start3A_94 = arith.constant 0 : i32
        %dma_start3A_95 = arith.constant 0 : i32
        %dma_start3A_96 = tpu.memref_slice %arg6[%add3A_5, %dma_start3A_94, %dma_start3A_95] : memref<4x10000x128xf32, #tpu.memory_space<hbm>> -> memref<1x10000x128xf32, #tpu.memory_space<hbm>>
        %dma_start3A_97 = tpu.memref_squeeze %dma_start3A_96 : memref<1x10000x128xf32, #tpu.memory_space<hbm>> -> memref<10000x128xf32, #tpu.memory_space<hbm>>
        %dma_start3A_98 = arith.constant 9984 : i32
        %dma_start3A_99 = arith.constant 0 : i32
        %dma_start3A_100 = tpu.memref_slice %dma_start3A_97[%dma_start3A_98, %dma_start3A_99] : memref<10000x128xf32, #tpu.memory_space<hbm>> -> memref<16x128xf32, #tpu.memory_space<hbm>>
        %dma_start3A_101 = arith.constant 9984 : i32
        %dma_start3A_102 = arith.constant 0 : i32
        %dma_start3A_103 = tpu.memref_slice %arg13[%dma_start3A_101, %dma_start3A_102] : memref<10000x128xf32, #tpu.memory_space<vmem_shared>> -> memref<16x128xf32, #tpu.memory_space<vmem_shared>>
        tpu.enqueue_dma source(%dma_start3A_103 : memref<16x128xf32, #tpu.memory_space<vmem_shared>>) target(%dma_start3A_100 : memref<16x128xf32, #tpu.memory_space<hbm>>) target_semaphore(%run_scoped3A : memref<!tpu.dma_semaphore, #tpu.memory_space<semaphore_mem>>)
        %dma_wait3A_104 = arith.constant 0 : i32
        %dma_wait3A_105 = arith.constant 0 : i32
        %dma_wait3A_106 = tpu.memref_slice %arg6[%add3A_5, %dma_wait3A_104, %dma_wait3A_105] : memref<4x10000x128xf32, #tpu.memory_space<hbm>> -> memref<1x10000x128xf32, #tpu.memory_space<hbm>>
        %dma_wait3A_107 = tpu.memref_squeeze %dma_wait3A_106 : memref<1x10000x128xf32, #tpu.memory_space<hbm>> -> memref<10000x128xf32, #tpu.memory_space<hbm>>
        %dma_wait3A_108 = arith.constant 9984 : i32
        %dma_wait3A_109 = arith.constant 0 : i32
        %dma_wait3A_110 = tpu.memref_slice %dma_wait3A_107[%dma_wait3A_108, %dma_wait3A_109] : memref<10000x128xf32, #tpu.memory_space<hbm>> -> memref<16x128xf32, #tpu.memory_space<hbm>>
        %dma_wait3A_111 = arith.constant 9984 : i32
        %dma_wait3A_112 = arith.constant 0 : i32
        %dma_wait3A_113 = tpu.memref_slice %arg13[%dma_wait3A_111, %dma_wait3A_112] : memref<10000x128xf32, #tpu.memory_space<vmem_shared>> -> memref<16x128xf32, #tpu.memory_space<vmem_shared>>
        tpu.wait_dma2 semaphore(%run_scoped3A : memref<!tpu.dma_semaphore, #tpu.memory_space<semaphore_mem>>) src(%dma_wait3A_113 : memref<16x128xf32, #tpu.memory_space<vmem_shared>>) dst(%dma_wait3A_110 : memref<16x128xf32, #tpu.memory_space<hbm>>)
        tpu.yield
      }) : () -> ()
    } else {
    }
    %barrier3A_44 = arith.constant 0 : index
    tpu.barrier barrier_id(%barrier3A_44)
    %mul3A_45 = arith.constant 2 : i32
    %mul3A_46 = arith.muli %arg0, %mul3A_45 : i32
    %add3A_47 = arith.constant 1 : i32
    %add3A_48 = arith.addi %mul3A_46, %add3A_47 : i32
    "tpu.region"() ({
      %run_scoped3A = tpu.sem_alloc : memref<!tpu.dma_semaphore, #tpu.memory_space<semaphore_mem>>
      %dma_start3A_94 = arith.constant 0 : i32
      %dma_start3A_95 = tpu.memref_slice %arg13[%mul3A_0, %dma_start3A_94] : memref<10000x128xf32, #tpu.memory_space<vmem_shared>> -> memref<624x128xf32, #tpu.memory_space<vmem_shared>>
      %dma_start3A_96 = arith.constant 0 : i32
      %dma_start3A_97 = tpu.memref_slice %arg5[%mul3A_0, %dma_start3A_96] : memref<10000x128xf32, #tpu.memory_space<hbm>> -> memref<624x128xf32, #tpu.memory_space<hbm>>
      tpu.enqueue_dma source(%dma_start3A_97 : memref<624x128xf32, #tpu.memory_space<hbm>>) target(%dma_start3A_95 : memref<624x128xf32, #tpu.memory_space<vmem_shared>>) target_semaphore(%run_scoped3A : memref<!tpu.dma_semaphore, #tpu.memory_space<semaphore_mem>>)
      %dma_wait3A_98 = arith.constant 0 : i32
      %dma_wait3A_99 = tpu.memref_slice %arg13[%mul3A_0, %dma_wait3A_98] : memref<10000x128xf32, #tpu.memory_space<vmem_shared>> -> memref<624x128xf32, #tpu.memory_space<vmem_shared>>
      %dma_wait3A_100 = arith.constant 0 : i32
      %dma_wait3A_101 = tpu.memref_slice %arg5[%mul3A_0, %dma_wait3A_100] : memref<10000x128xf32, #tpu.memory_space<hbm>> -> memref<624x128xf32, #tpu.memory_space<hbm>>
      tpu.wait_dma2 semaphore(%run_scoped3A : memref<!tpu.dma_semaphore, #tpu.memory_space<semaphore_mem>>) src(%dma_wait3A_101 : memref<624x128xf32, #tpu.memory_space<hbm>>) dst(%dma_wait3A_99 : memref<624x128xf32, #tpu.memory_space<vmem_shared>>)
      tpu.yield
    }) : () -> ()
    %eq3A_49 = arith.constant 15 : i32
    %eq3A_50 = arith.cmpi eq, %arg1, %eq3A_49 : i32
    %convert_element_type3A_51 = arith.extui %eq3A_50 : i1 to i32
    %cond3A_52 = arith.constant 0 : i32
    %cond3A_53 = arith.cmpi ne, %convert_element_type3A_51, %cond3A_52 : i32
    scf.if %cond3A_53 {
      "tpu.region"() ({
        %run_scoped3A = tpu.sem_alloc : memref<!tpu.dma_semaphore, #tpu.memory_space<semaphore_mem>>
        %dma_start3A_94 = arith.constant 9984 : i32
        %dma_start3A_95 = arith.constant 0 : i32
        %dma_start3A_96 = tpu.memref_slice %arg13[%dma_start3A_94, %dma_start3A_95] : memref<10000x128xf32, #tpu.memory_space<vmem_shared>> -> memref<16x128xf32, #tpu.memory_space<vmem_shared>>
        %dma_start3A_97 = arith.constant 9984 : i32
        %dma_start3A_98 = arith.constant 0 : i32
        %dma_start3A_99 = tpu.memref_slice %arg5[%dma_start3A_97, %dma_start3A_98] : memref<10000x128xf32, #tpu.memory_space<hbm>> -> memref<16x128xf32, #tpu.memory_space<hbm>>
        tpu.enqueue_dma source(%dma_start3A_99 : memref<16x128xf32, #tpu.memory_space<hbm>>) target(%dma_start3A_96 : memref<16x128xf32, #tpu.memory_space<vmem_shared>>) target_semaphore(%run_scoped3A : memref<!tpu.dma_semaphore, #tpu.memory_space<semaphore_mem>>)
        %dma_wait3A_100 = arith.constant 9984 : i32
        %dma_wait3A_101 = arith.constant 0 : i32
        %dma_wait3A_102 = tpu.memref_slice %arg13[%dma_wait3A_100, %dma_wait3A_101] : memref<10000x128xf32, #tpu.memory_space<vmem_shared>> -> memref<16x128xf32, #tpu.memory_space<vmem_shared>>
        %dma_wait3A_103 = arith.constant 9984 : i32
        %dma_wait3A_104 = arith.constant 0 : i32
        %dma_wait3A_105 = tpu.memref_slice %arg5[%dma_wait3A_103, %dma_wait3A_104] : memref<10000x128xf32, #tpu.memory_space<hbm>> -> memref<16x128xf32, #tpu.memory_space<hbm>>
        tpu.wait_dma2 semaphore(%run_scoped3A : memref<!tpu.dma_semaphore, #tpu.memory_space<semaphore_mem>>) src(%dma_wait3A_105 : memref<16x128xf32, #tpu.memory_space<hbm>>) dst(%dma_wait3A_102 : memref<16x128xf32, #tpu.memory_space<vmem_shared>>)
        tpu.yield
      }) : () -> ()
    } else {
    }
    %barrier3A_54 = arith.constant 0 : index
    tpu.barrier barrier_id(%barrier3A_54)
    %dma_start3A_55 = arith.constant 0 : i32
    %dma_start3A_56 = tpu.memref_slice %arg7[%dma_start3A_55] : memref<10000xi32, #tpu.memory_space<vmem>> -> memref<80xi32, #tpu.memory_space<vmem>>
    %dma_start3A_57 = arith.constant 0 : i32
    %dma_start3A_58 = arith.constant 0 : i32
    %dma_start3A_59 = tpu.memref_slice %arg2[%add3A_48, %dma_start3A_57, %dma_start3A_58] : memref<4x10000x128xf32, #tpu.memory_space<hbm>> -> memref<1x10000x128xf32, #tpu.memory_space<hbm>>
    %dma_start3A_60 = tpu.memref_squeeze %dma_start3A_59 : memref<1x10000x128xf32, #tpu.memory_space<hbm>> -> memref<10000x128xf32, #tpu.memory_space<hbm>>
    %dma_start3A_61 = arith.constant 0 : i32
    %dma_start3A_62 = arith.constant 0 : i32
    %dma_start3A_63 = tpu.memref_slice %dma_start3A_60[%dma_start3A_61, %dma_start3A_62] : memref<10000x128xf32, #tpu.memory_space<hbm>> -> memref<10000x128xf32, #tpu.memory_space<hbm>>
    tpu.enqueue_indirect_dma source(%dma_start3A_63 : memref<10000x128xf32, #tpu.memory_space<hbm>>) target(%arg9 : memref<80x128xf32, #tpu.memory_space<vmem>>) offsets(%dma_start3A_56 : memref<80xi32, #tpu.memory_space<vmem>>) semaphore(%arg14 : memref<!tpu.dma_semaphore, #tpu.memory_space<semaphore_mem>>)
    %scan3A_64 = arith.constant 0 : i32
    %scan3A_65 = arith.constant 62 : i32
    %scan3A_66 = arith.addi %scan3A_64, %scan3A_65 : i32
    %scan3A_67 = arith.constant 1 : i32
    scf.for %scan3A_94 = %scan3A_64 to %scan3A_66 step %scan3A_67  : i32 {
      %mul3A_95 = arith.constant 2 : i32
      %mul3A_96 = arith.muli %scan3A_94, %mul3A_95 : i32
      %add3A_97 = arith.constant 0 : i32
      %add3A_98 = arith.addi %add3A_97, %mul3A_96 : i32
      %add3A_99 = arith.constant 1 : i32
      %add3A_100 = arith.addi %add3A_98, %add3A_99 : i32
      %mul3A_101 = arith.constant 80 : i32
      %mul3A_102 = arith.muli %add3A_100, %mul3A_101 : i32
      %dma_start3A_103 = tpu.memref_slice %arg7[%mul3A_102] : memref<10000xi32, #tpu.memory_space<vmem>> -> memref<80xi32, #tpu.memory_space<vmem>>
      %dma_start3A_104 = arith.constant 0 : i32
      %dma_start3A_105 = arith.constant 0 : i32
      %dma_start3A_106 = tpu.memref_slice %arg2[%add3A_48, %dma_start3A_104, %dma_start3A_105] : memref<4x10000x128xf32, #tpu.memory_space<hbm>> -> memref<1x10000x128xf32, #tpu.memory_space<hbm>>
      %dma_start3A_107 = tpu.memref_squeeze %dma_start3A_106 : memref<1x10000x128xf32, #tpu.memory_space<hbm>> -> memref<10000x128xf32, #tpu.memory_space<hbm>>
      %dma_start3A_108 = arith.constant 0 : i32
      %dma_start3A_109 = arith.constant 0 : i32
      %dma_start3A_110 = tpu.memref_slice %dma_start3A_107[%dma_start3A_108, %dma_start3A_109] : memref<10000x128xf32, #tpu.memory_space<hbm>> -> memref<10000x128xf32, #tpu.memory_space<hbm>>
      tpu.enqueue_indirect_dma source(%dma_start3A_110 : memref<10000x128xf32, #tpu.memory_space<hbm>>) target(%arg10 : memref<80x128xf32, #tpu.memory_space<vmem>>) offsets(%dma_start3A_103 : memref<80xi32, #tpu.memory_space<vmem>>) semaphore(%arg15 : memref<!tpu.dma_semaphore, #tpu.memory_space<semaphore_mem>>)
      %scan3A_111 = arith.constant 0 : i32
      %scan3A_112 = arith.constant 5 : i32
      %scan3A_113 = arith.addi %scan3A_111, %scan3A_112 : i32
      %scan3A_114 = arith.constant 1 : i32
      scf.for %scan3A_163 = %scan3A_111 to %scan3A_113 step %scan3A_114  : i32 {
        %mul3A_164 = arith.constant 1 : i32
        %mul3A_165 = arith.muli %scan3A_163, %mul3A_164 : i32
        %add3A_166 = arith.constant 0 : i32
        %add3A_167 = arith.addi %add3A_166, %mul3A_165 : i32
        %mul3A_168 = arith.constant 80 : i32
        %mul3A_169 = arith.muli %add3A_98, %mul3A_168 : i32
        %mul3A_170 = arith.constant 16 : i32
        %mul3A_171 = arith.muli %add3A_167, %mul3A_170 : i32
        %add3A_172 = arith.addi %mul3A_169, %mul3A_171 : i32
        %get3A = arith.index_cast %add3A_172 : i32 to index
        %get3A_173 = tpu.vector_load %arg8[%get3A] {strides = array<i32>} : memref<10000xi32, #tpu.memory_space<vmem>>, vector<16xi32>,
        %mul3A_174 = arith.constant 16 : i32
        %mul3A_175 = arith.muli %add3A_167, %mul3A_174 : i32
        %swap3A = arith.index_cast %mul3A_175 : i32 to index
        %swap3A_176 = tpu.vector_load %arg11[%swap3A] {strides = array<i32>} : memref<80xi32, #tpu.memory_space<vmem>>, vector<16xi32>,
        tpu.vector_store %arg11[%swap3A], %get3A_173 {strides = array<i32>} : memref<80xi32, #tpu.memory_space<vmem>>, vector<16xi32>,
      }
      %scan3A_115 = arith.constant 5 : i32
      %dma_wait3A_116 = arith.constant 0 : i32
      %dma_wait3A_117 = arith.constant 0 : i32
      %dma_wait3A_118 = tpu.memref_slice %arg2[%add3A_48, %dma_wait3A_116, %dma_wait3A_117] : memref<4x10000x128xf32, #tpu.memory_space<hbm>> -> memref<1x10000x128xf32, #tpu.memory_space<hbm>>
      %dma_wait3A_119 = tpu.memref_squeeze %dma_wait3A_118 : memref<1x10000x128xf32, #tpu.memory_space<hbm>> -> memref<10000x128xf32, #tpu.memory_space<hbm>>
      %dma_wait3A_120 = arith.constant 0 : i32
      %dma_wait3A_121 = arith.constant 0 : i32
      %dma_wait3A_122 = tpu.memref_slice %dma_wait3A_119[%dma_wait3A_120, %dma_wait3A_121] : memref<10000x128xf32, #tpu.memory_space<hbm>> -> memref<80x128xf32, #tpu.memory_space<hbm>>
      %dma_wait3A_123 = arith.constant 0 : i32
      %dma_wait3A_124 = arith.constant 0 : i32
      %dma_wait3A_125 = tpu.memref_slice %arg2[%add3A_48, %dma_wait3A_123, %dma_wait3A_124] : memref<4x10000x128xf32, #tpu.memory_space<hbm>> -> memref<1x10000x128xf32, #tpu.memory_space<hbm>>
      %dma_wait3A_126 = tpu.memref_squeeze %dma_wait3A_125 : memref<1x10000x128xf32, #tpu.memory_space<hbm>> -> memref<10000x128xf32, #tpu.memory_space<hbm>>
      %dma_wait3A_127 = arith.constant 0 : i32
      %dma_wait3A_128 = arith.constant 0 : i32
      %dma_wait3A_129 = tpu.memref_slice %dma_wait3A_126[%dma_wait3A_127, %dma_wait3A_128] : memref<10000x128xf32, #tpu.memory_space<hbm>> -> memref<80x128xf32, #tpu.memory_space<hbm>>
      tpu.wait_dma2 semaphore(%arg14 : memref<!tpu.dma_semaphore, #tpu.memory_space<semaphore_mem>>) src(%dma_wait3A_129 : memref<80x128xf32, #tpu.memory_space<hbm>>) dst(%arg9 : memref<80x128xf32, #tpu.memory_space<vmem>>)
      "tpu.region"() ({
        %run_scoped3A = tpu.sem_alloc : memref<!tpu.dma_semaphore, #tpu.memory_space<semaphore_mem>>
        %dma_start3A_163 = arith.constant 0 : i32
        %dma_start3A_164 = arith.constant 0 : i32
        %dma_start3A_165 = tpu.memref_slice %arg13[%dma_start3A_163, %dma_start3A_164] : memref<10000x128xf32, #tpu.memory_space<vmem_shared>> -> memref<10000x128xf32, #tpu.memory_space<vmem_shared>>
        tpu.enqueue_indirect_dma source(%arg9 : memref<80x128xf32, #tpu.memory_space<vmem>>) target(%dma_start3A_165 : memref<10000x128xf32, #tpu.memory_space<vmem_shared>>) offsets(%arg11 : memref<80xi32, #tpu.memory_space<vmem>>) semaphore(%run_scoped3A : memref<!tpu.dma_semaphore, #tpu.memory_space<semaphore_mem>>) {add = true}
        %dma_wait3A_166 = arith.constant 0 : i32
        %dma_wait3A_167 = arith.constant 0 : i32
        %dma_wait3A_168 = tpu.memref_slice %arg13[%dma_wait3A_166, %dma_wait3A_167] : memref<10000x128xf32, #tpu.memory_space<vmem_shared>> -> memref<10000x128xf32, #tpu.memory_space<vmem_shared>>
        tpu.wait_indirect_dma semaphore(%run_scoped3A : memref<!tpu.dma_semaphore, #tpu.memory_space<semaphore_mem>>) src(%arg9 : memref<80x128xf32, #tpu.memory_space<vmem>>) dst(%dma_wait3A_168 : memref<10000x128xf32, #tpu.memory_space<vmem_shared>>)
        tpu.yield
      }) : () -> ()
      %add3A_130 = arith.constant 2 : i32
      %add3A_131 = arith.addi %add3A_98, %add3A_130 : i32
      %mul3A_132 = arith.constant 80 : i32
      %mul3A_133 = arith.muli %add3A_131, %mul3A_132 : i32
      %dma_start3A_134 = tpu.memref_slice %arg7[%mul3A_133] : memref<10000xi32, #tpu.memory_space<vmem>> -> memref<80xi32, #tpu.memory_space<vmem>>
      %dma_start3A_135 = arith.constant 0 : i32
      %dma_start3A_136 = arith.constant 0 : i32
      %dma_start3A_137 = tpu.memref_slice %arg2[%add3A_48, %dma_start3A_135, %dma_start3A_136] : memref<4x10000x128xf32, #tpu.memory_space<hbm>> -> memref<1x10000x128xf32, #tpu.memory_space<hbm>>
      %dma_start3A_138 = tpu.memref_squeeze %dma_start3A_137 : memref<1x10000x128xf32, #tpu.memory_space<hbm>> -> memref<10000x128xf32, #tpu.memory_space<hbm>>
      %dma_start3A_139 = arith.constant 0 : i32
      %dma_start3A_140 = arith.constant 0 : i32
      %dma_start3A_141 = tpu.memref_slice %dma_start3A_138[%dma_start3A_139, %dma_start3A_140] : memref<10000x128xf32, #tpu.memory_space<hbm>> -> memref<10000x128xf32, #tpu.memory_space<hbm>>
      tpu.enqueue_indirect_dma source(%dma_start3A_141 : memref<10000x128xf32, #tpu.memory_space<hbm>>) target(%arg9 : memref<80x128xf32, #tpu.memory_space<vmem>>) offsets(%dma_start3A_134 : memref<80xi32, #tpu.memory_space<vmem>>) semaphore(%arg14 : memref<!tpu.dma_semaphore, #tpu.memory_space<semaphore_mem>>)
      %add3A_142 = arith.constant 1 : i32
      %add3A_143 = arith.addi %add3A_98, %add3A_142 : i32
      %scan3A_144 = arith.constant 0 : i32
      %scan3A_145 = arith.constant 5 : i32
      %scan3A_146 = arith.addi %scan3A_144, %scan3A_145 : i32
      %scan3A_147 = arith.constant 1 : i32
      scf.for %scan3A_163 = %scan3A_144 to %scan3A_146 step %scan3A_147  : i32 {
        %mul3A_164 = arith.constant 1 : i32
        %mul3A_165 = arith.muli %scan3A_163, %mul3A_164 : i32
        %add3A_166 = arith.constant 0 : i32
        %add3A_167 = arith.addi %add3A_166, %mul3A_165 : i32
        %mul3A_168 = arith.constant 80 : i32
        %mul3A_169 = arith.muli %add3A_143, %mul3A_168 : i32
        %mul3A_170 = arith.constant 16 : i32
        %mul3A_171 = arith.muli %add3A_167, %mul3A_170 : i32
        %add3A_172 = arith.addi %mul3A_169, %mul3A_171 : i32
        %get3A = arith.index_cast %add3A_172 : i32 to index
        %get3A_173 = tpu.vector_load %arg8[%get3A] {strides = array<i32>} : memref<10000xi32, #tpu.memory_space<vmem>>, vector<16xi32>,
        %mul3A_174 = arith.constant 16 : i32
        %mul3A_175 = arith.muli %add3A_167, %mul3A_174 : i32
        %swap3A = arith.index_cast %mul3A_175 : i32 to index
        %swap3A_176 = tpu.vector_load %arg12[%swap3A] {strides = array<i32>} : memref<80xi32, #tpu.memory_space<vmem>>, vector<16xi32>,
        tpu.vector_store %arg12[%swap3A], %get3A_173 {strides = array<i32>} : memref<80xi32, #tpu.memory_space<vmem>>, vector<16xi32>,
      }
      %scan3A_148 = arith.constant 5 : i32
      %dma_wait3A_149 = arith.constant 0 : i32
      %dma_wait3A_150 = arith.constant 0 : i32
      %dma_wait3A_151 = tpu.memref_slice %arg2[%add3A_48, %dma_wait3A_149, %dma_wait3A_150] : memref<4x10000x128xf32, #tpu.memory_space<hbm>> -> memref<1x10000x128xf32, #tpu.memory_space<hbm>>
      %dma_wait3A_152 = tpu.memref_squeeze %dma_wait3A_151 : memref<1x10000x128xf32, #tpu.memory_space<hbm>> -> memref<10000x128xf32, #tpu.memory_space<hbm>>
      %dma_wait3A_153 = arith.constant 0 : i32
      %dma_wait3A_154 = arith.constant 0 : i32
      %dma_wait3A_155 = tpu.memref_slice %dma_wait3A_152[%dma_wait3A_153, %dma_wait3A_154] : memref<10000x128xf32, #tpu.memory_space<hbm>> -> memref<80x128xf32, #tpu.memory_space<hbm>>
      %dma_wait3A_156 = arith.constant 0 : i32
      %dma_wait3A_157 = arith.constant 0 : i32
      %dma_wait3A_158 = tpu.memref_slice %arg2[%add3A_48, %dma_wait3A_156, %dma_wait3A_157] : memref<4x10000x128xf32, #tpu.memory_space<hbm>> -> memref<1x10000x128xf32, #tpu.memory_space<hbm>>
      %dma_wait3A_159 = tpu.memref_squeeze %dma_wait3A_158 : memref<1x10000x128xf32, #tpu.memory_space<hbm>> -> memref<10000x128xf32, #tpu.memory_space<hbm>>
      %dma_wait3A_160 = arith.constant 0 : i32
      %dma_wait3A_161 = arith.constant 0 : i32
      %dma_wait3A_162 = tpu.memref_slice %dma_wait3A_159[%dma_wait3A_160, %dma_wait3A_161] : memref<10000x128xf32, #tpu.memory_space<hbm>> -> memref<80x128xf32, #tpu.memory_space<hbm>>
      tpu.wait_dma2 semaphore(%arg15 : memref<!tpu.dma_semaphore, #tpu.memory_space<semaphore_mem>>) src(%dma_wait3A_162 : memref<80x128xf32, #tpu.memory_space<hbm>>) dst(%arg10 : memref<80x128xf32, #tpu.memory_space<vmem>>)
      "tpu.region"() ({
        %run_scoped3A = tpu.sem_alloc : memref<!tpu.dma_semaphore, #tpu.memory_space<semaphore_mem>>
        %dma_start3A_163 = arith.constant 0 : i32
        %dma_start3A_164 = arith.constant 0 : i32
        %dma_start3A_165 = tpu.memref_slice %arg13[%dma_start3A_163, %dma_start3A_164] : memref<10000x128xf32, #tpu.memory_space<vmem_shared>> -> memref<10000x128xf32, #tpu.memory_space<vmem_shared>>
        tpu.enqueue_indirect_dma source(%arg10 : memref<80x128xf32, #tpu.memory_space<vmem>>) target(%dma_start3A_165 : memref<10000x128xf32, #tpu.memory_space<vmem_shared>>) offsets(%arg12 : memref<80xi32, #tpu.memory_space<vmem>>) semaphore(%run_scoped3A : memref<!tpu.dma_semaphore, #tpu.memory_space<semaphore_mem>>) {add = true}
        %dma_wait3A_166 = arith.constant 0 : i32
        %dma_wait3A_167 = arith.constant 0 : i32
        %dma_wait3A_168 = tpu.memref_slice %arg13[%dma_wait3A_166, %dma_wait3A_167] : memref<10000x128xf32, #tpu.memory_space<vmem_shared>> -> memref<10000x128xf32, #tpu.memory_space<vmem_shared>>
        tpu.wait_indirect_dma semaphore(%run_scoped3A : memref<!tpu.dma_semaphore, #tpu.memory_space<semaphore_mem>>) src(%arg10 : memref<80x128xf32, #tpu.memory_space<vmem>>) dst(%dma_wait3A_168 : memref<10000x128xf32, #tpu.memory_space<vmem_shared>>)
        tpu.yield
      }) : () -> ()
    }
    %scan3A_68 = arith.constant 62 : i32
    %scan3A_69 = arith.constant 0 : i32
    %scan3A_70 = arith.constant 5 : i32
    %scan3A_71 = arith.addi %scan3A_69, %scan3A_70 : i32
    %scan3A_72 = arith.constant 1 : i32
    scf.for %scan3A_94 = %scan3A_69 to %scan3A_71 step %scan3A_72  : i32 {
      %mul3A_95 = arith.constant 1 : i32
      %mul3A_96 = arith.muli %scan3A_94, %mul3A_95 : i32
      %add3A_97 = arith.constant 0 : i32
      %add3A_98 = arith.addi %add3A_97, %mul3A_96 : i32
      %mul3A_99 = arith.constant 16 : i32
      %mul3A_100 = arith.muli %add3A_98, %mul3A_99 : i32
      %add3A_101 = arith.constant 9920 : i32
      %add3A_102 = arith.addi %add3A_101, %mul3A_100 : i32
      %get3A = arith.index_cast %add3A_102 : i32 to index
      %get3A_103 = tpu.vector_load %arg8[%get3A] {strides = array<i32>} : memref<10000xi32, #tpu.memory_space<vmem>>, vector<16xi32>,
      %mul3A_104 = arith.constant 16 : i32
      %mul3A_105 = arith.muli %add3A_98, %mul3A_104 : i32
      %swap3A = arith.index_cast %mul3A_105 : i32 to index
      %swap3A_106 = tpu.vector_load %arg11[%swap3A] {strides = array<i32>} : memref<80xi32, #tpu.memory_space<vmem>>, vector<16xi32>,
      tpu.vector_store %arg11[%swap3A], %get3A_103 {strides = array<i32>} : memref<80xi32, #tpu.memory_space<vmem>>, vector<16xi32>,
    }
    %scan3A_73 = arith.constant 5 : i32
    %dma_wait3A_74 = arith.constant 0 : i32
    %dma_wait3A_75 = arith.constant 0 : i32
    %dma_wait3A_76 = tpu.memref_slice %arg2[%add3A_48, %dma_wait3A_74, %dma_wait3A_75] : memref<4x10000x128xf32, #tpu.memory_space<hbm>> -> memref<1x10000x128xf32, #tpu.memory_space<hbm>>
    %dma_wait3A_77 = tpu.memref_squeeze %dma_wait3A_76 : memref<1x10000x128xf32, #tpu.memory_space<hbm>> -> memref<10000x128xf32, #tpu.memory_space<hbm>>
    %dma_wait3A_78 = arith.constant 0 : i32
    %dma_wait3A_79 = arith.constant 0 : i32
    %dma_wait3A_80 = tpu.memref_slice %dma_wait3A_77[%dma_wait3A_78, %dma_wait3A_79] : memref<10000x128xf32, #tpu.memory_space<hbm>> -> memref<80x128xf32, #tpu.memory_space<hbm>>
    %dma_wait3A_81 = arith.constant 0 : i32
    %dma_wait3A_82 = arith.constant 0 : i32
    %dma_wait3A_83 = tpu.memref_slice %arg2[%add3A_48, %dma_wait3A_81, %dma_wait3A_82] : memref<4x10000x128xf32, #tpu.memory_space<hbm>> -> memref<1x10000x128xf32, #tpu.memory_space<hbm>>
    %dma_wait3A_84 = tpu.memref_squeeze %dma_wait3A_83 : memref<1x10000x128xf32, #tpu.memory_space<hbm>> -> memref<10000x128xf32, #tpu.memory_space<hbm>>
    %dma_wait3A_85 = arith.constant 0 : i32
    %dma_wait3A_86 = arith.constant 0 : i32
    %dma_wait3A_87 = tpu.memref_slice %dma_wait3A_84[%dma_wait3A_85, %dma_wait3A_86] : memref<10000x128xf32, #tpu.memory_space<hbm>> -> memref<80x128xf32, #tpu.memory_space<hbm>>
    tpu.wait_dma2 semaphore(%arg14 : memref<!tpu.dma_semaphore, #tpu.memory_space<semaphore_mem>>) src(%dma_wait3A_87 : memref<80x128xf32, #tpu.memory_space<hbm>>) dst(%arg9 : memref<80x128xf32, #tpu.memory_space<vmem>>)
    "tpu.region"() ({
      %run_scoped3A = tpu.sem_alloc : memref<!tpu.dma_semaphore, #tpu.memory_space<semaphore_mem>>
      %dma_start3A_94 = arith.constant 0 : i32
      %dma_start3A_95 = arith.constant 0 : i32
      %dma_start3A_96 = tpu.memref_slice %arg13[%dma_start3A_94, %dma_start3A_95] : memref<10000x128xf32, #tpu.memory_space<vmem_shared>> -> memref<10000x128xf32, #tpu.memory_space<vmem_shared>>
      tpu.enqueue_indirect_dma source(%arg9 : memref<80x128xf32, #tpu.memory_space<vmem>>) target(%dma_start3A_96 : memref<10000x128xf32, #tpu.memory_space<vmem_shared>>) offsets(%arg11 : memref<80xi32, #tpu.memory_space<vmem>>) semaphore(%run_scoped3A : memref<!tpu.dma_semaphore, #tpu.memory_space<semaphore_mem>>) {add = true}
      %dma_wait3A_97 = arith.constant 0 : i32
      %dma_wait3A_98 = arith.constant 0 : i32
      %dma_wait3A_99 = tpu.memref_slice %arg13[%dma_wait3A_97, %dma_wait3A_98] : memref<10000x128xf32, #tpu.memory_space<vmem_shared>> -> memref<10000x128xf32, #tpu.memory_space<vmem_shared>>
      tpu.wait_indirect_dma semaphore(%run_scoped3A : memref<!tpu.dma_semaphore, #tpu.memory_space<semaphore_mem>>) src(%arg9 : memref<80x128xf32, #tpu.memory_space<vmem>>) dst(%dma_wait3A_99 : memref<10000x128xf32, #tpu.memory_space<vmem_shared>>)
      tpu.yield
    }) : () -> ()
    %barrier3A_88 = arith.constant 0 : index
    tpu.barrier barrier_id(%barrier3A_88)
    "tpu.region"() ({
      %run_scoped3A = tpu.sem_alloc : memref<!tpu.dma_semaphore, #tpu.memory_space<semaphore_mem>>
      %dma_start3A_94 = arith.constant 0 : i32
      %dma_start3A_95 = arith.constant 0 : i32
      %dma_start3A_96 = tpu.memref_slice %arg6[%add3A_48, %dma_start3A_94, %dma_start3A_95] : memref<4x10000x128xf32, #tpu.memory_space<hbm>> -> memref<1x10000x128xf32, #tpu.memory_space<hbm>>
      %dma_start3A_97 = tpu.memref_squeeze %dma_start3A_96 : memref<1x10000x128xf32, #tpu.memory_space<hbm>> -> memref<10000x128xf32, #tpu.memory_space<hbm>>
      %dma_start3A_98 = arith.constant 0 : i32
      %dma_start3A_99 = tpu.memref_slice %dma_start3A_97[%mul3A_0, %dma_start3A_98] : memref<10000x128xf32, #tpu.memory_space<hbm>> -> memref<624x128xf32, #tpu.memory_space<hbm>>
      %dma_start3A_100 = arith.constant 0 : i32
      %dma_start3A_101 = tpu.memref_slice %arg13[%mul3A_0, %dma_start3A_100] : memref<10000x128xf32, #tpu.memory_space<vmem_shared>> -> memref<624x128xf32, #tpu.memory_space<vmem_shared>>
      tpu.enqueue_dma source(%dma_start3A_101 : memref<624x128xf32, #tpu.memory_space<vmem_shared>>) target(%dma_start3A_99 : memref<624x128xf32, #tpu.memory_space<hbm>>) target_semaphore(%run_scoped3A : memref<!tpu.dma_semaphore, #tpu.memory_space<semaphore_mem>>)
      %dma_wait3A_102 = arith.constant 0 : i32
      %dma_wait3A_103 = arith.constant 0 : i32
      %dma_wait3A_104 = tpu.memref_slice %arg6[%add3A_48, %dma_wait3A_102, %dma_wait3A_103] : memref<4x10000x128xf32, #tpu.memory_space<hbm>> -> memref<1x10000x128xf32, #tpu.memory_space<hbm>>
      %dma_wait3A_105 = tpu.memref_squeeze %dma_wait3A_104 : memref<1x10000x128xf32, #tpu.memory_space<hbm>> -> memref<10000x128xf32, #tpu.memory_space<hbm>>
      %dma_wait3A_106 = arith.constant 0 : i32
      %dma_wait3A_107 = tpu.memref_slice %dma_wait3A_105[%mul3A_0, %dma_wait3A_106] : memref<10000x128xf32, #tpu.memory_space<hbm>> -> memref<624x128xf32, #tpu.memory_space<hbm>>
      %dma_wait3A_108 = arith.constant 0 : i32
      %dma_wait3A_109 = tpu.memref_slice %arg13[%mul3A_0, %dma_wait3A_108] : memref<10000x128xf32, #tpu.memory_space<vmem_shared>> -> memref<624x128xf32, #tpu.memory_space<vmem_shared>>
      tpu.wait_dma2 semaphore(%run_scoped3A : memref<!tpu.dma_semaphore, #tpu.memory_space<semaphore_mem>>) src(%dma_wait3A_109 : memref<624x128xf32, #tpu.memory_space<vmem_shared>>) dst(%dma_wait3A_107 : memref<624x128xf32, #tpu.memory_space<hbm>>)
      tpu.yield
    }) : () -> ()
    %eq3A_89 = arith.constant 15 : i32
    %eq3A_90 = arith.cmpi eq, %arg1, %eq3A_89 : i32
    %convert_element_type3A_91 = arith.extui %eq3A_90 : i1 to i32
    %cond3A_92 = arith.constant 0 : i32
    %cond3A_93 = arith.cmpi ne, %convert_element_type3A_91, %cond3A_92 : i32
    scf.if %cond3A_93 {
      "tpu.region"() ({
        %run_scoped3A = tpu.sem_alloc : memref<!tpu.dma_semaphore, #tpu.memory_space<semaphore_mem>>
        %dma_start3A_94 = arith.constant 0 : i32
        %dma_start3A_95 = arith.constant 0 : i32
        %dma_start3A_96 = tpu.memref_slice %arg6[%add3A_48, %dma_start3A_94, %dma_start3A_95] : memref<4x10000x128xf32, #tpu.memory_space<hbm>> -> memref<1x10000x128xf32, #tpu.memory_space<hbm>>
        %dma_start3A_97 = tpu.memref_squeeze %dma_start3A_96 : memref<1x10000x128xf32, #tpu.memory_space<hbm>> -> memref<10000x128xf32, #tpu.memory_space<hbm>>
        %dma_start3A_98 = arith.constant 9984 : i32
        %dma_start3A_99 = arith.constant 0 : i32
        %dma_start3A_100 = tpu.memref_slice %dma_start3A_97[%dma_start3A_98, %dma_start3A_99] : memref<10000x128xf32, #tpu.memory_space<hbm>> -> memref<16x128xf32, #tpu.memory_space<hbm>>
        %dma_start3A_101 = arith.constant 9984 : i32
        %dma_start3A_102 = arith.constant 0 : i32
        %dma_start3A_103 = tpu.memref_slice %arg13[%dma_start3A_101, %dma_start3A_102] : memref<10000x128xf32, #tpu.memory_space<vmem_shared>> -> memref<16x128xf32, #tpu.memory_space<vmem_shared>>
        tpu.enqueue_dma source(%dma_start3A_103 : memref<16x128xf32, #tpu.memory_space<vmem_shared>>) target(%dma_start3A_100 : memref<16x128xf32, #tpu.memory_space<hbm>>) target_semaphore(%run_scoped3A : memref<!tpu.dma_semaphore, #tpu.memory_space<semaphore_mem>>)
        %dma_wait3A_104 = arith.constant 0 : i32
        %dma_wait3A_105 = arith.constant 0 : i32
        %dma_wait3A_106 = tpu.memref_slice %arg6[%add3A_48, %dma_wait3A_104, %dma_wait3A_105] : memref<4x10000x128xf32, #tpu.memory_space<hbm>> -> memref<1x10000x128xf32, #tpu.memory_space<hbm>>
        %dma_wait3A_107 = tpu.memref_squeeze %dma_wait3A_106 : memref<1x10000x128xf32, #tpu.memory_space<hbm>> -> memref<10000x128xf32, #tpu.memory_space<hbm>>
        %dma_wait3A_108 = arith.constant 9984 : i32
        %dma_wait3A_109 = arith.constant 0 : i32
        %dma_wait3A_110 = tpu.memref_slice %dma_wait3A_107[%dma_wait3A_108, %dma_wait3A_109] : memref<10000x128xf32, #tpu.memory_space<hbm>> -> memref<16x128xf32, #tpu.memory_space<hbm>>
        %dma_wait3A_111 = arith.constant 9984 : i32
        %dma_wait3A_112 = arith.constant 0 : i32
        %dma_wait3A_113 = tpu.memref_slice %arg13[%dma_wait3A_111, %dma_wait3A_112] : memref<10000x128xf32, #tpu.memory_space<vmem_shared>> -> memref<16x128xf32, #tpu.memory_space<vmem_shared>>
        tpu.wait_dma2 semaphore(%run_scoped3A : memref<!tpu.dma_semaphore, #tpu.memory_space<semaphore_mem>>) src(%dma_wait3A_113 : memref<16x128xf32, #tpu.memory_space<vmem_shared>>) dst(%dma_wait3A_110 : memref<16x128xf32, #tpu.memory_space<hbm>>)
        tpu.yield
      }) : () -> ()
    } else {
    }
    return
  }
}

module attributes {stable_mosaic.version = 14 : i64} {
  func.func @body(%arg0: i32, %arg1: memref<1000x256xf32, #tpu.memory_space<vmem>>, %arg2: memref<2x1000x128xf32, #tpu.memory_space<vmem>>, %arg3: memref<1x16x1000xf32, #tpu.memory_space<vmem>>, %arg4: memref<256x512xf32, #tpu.memory_space<vmem>>, %arg5: memref<1x512xf32, #tpu.memory_space<vmem>>, %arg6: memref<4x1000x128xf32, #tpu.memory_space<vmem>>) attributes {dimension_semantics = [#tpu.dimension_semantics<arbitrary>], iteration_bounds = array<i64: 10>, scalar_prefetch = 0 : i64, scratch_operands = 0 : i64, tpu.core_type = #tpu.core_type<tc>, window_params = [{transform_indices = @transform_0, window_bounds = array<i64: 1000, 256>}, {transform_indices = @transform_1, window_bounds = array<i64: 2, 1000, 128>}, {transform_indices = @transform_2, window_bounds = array<i64: 1, 16, 1000>}, {pipeline_mode = #tpu.pipeline_mode<synchronous>, transform_indices = @transform_3, window_bounds = array<i64: 256, 512>}, {pipeline_mode = #tpu.pipeline_mode<synchronous>, transform_indices = @transform_4, window_bounds = array<i64: 1, 512>}, {transform_indices = @transform_5, window_bounds = array<i64: 4, 1000, 128>}]} {
    %get3A = arith.constant 0 : index
    %get3A_0 = arith.constant 0 : index
    %get3A_1 = arith.constant 0 : index
    %get3A_2 = vector.load %arg3[%get3A, %get3A_0, %get3A_1] : memref<1x16x1000xf32, #tpu.memory_space<vmem>>, vector<1x16x1000xf32>
    %get3A_3 = vector.shape_cast %get3A_2 : vector<1x16x1000xf32> to vector<16x1000xf32>
    %reduce_sum3A = arith.constant dense<0.000000e+00> : vector<1000xf32>
    %reduce_sum3A_4 = vector.multi_reduction <add>, %get3A_3, %reduce_sum3A [0] : vector<16x1000xf32> to vector<1000xf32>
    %broadcast_in_dim3A = vector.shape_cast %reduce_sum3A_4 : vector<1000xf32> to vector<1000x1xf32>
    %max3A = arith.constant 1.000000e+00 : f32
    %max3A_5 = vector.broadcast %max3A : f32 to vector<1000x1xf32>
    %max3A_6 = arith.maximumf %broadcast_in_dim3A, %max3A_5 : vector<1000x1xf32>
    %div3A = arith.constant 1.000000e+00 : f32
    %div3A_7 = vector.broadcast %div3A : f32 to vector<1000x1xf32>
    %div3A_8 = arith.divf %div3A_7, %max3A_6 : vector<1000x1xf32>
    %get3A_9 = arith.constant 0 : index
    %get3A_10 = arith.constant 0 : index
    %get3A_11 = arith.constant 0 : index
    %get3A_12 = vector.load %arg2[%get3A_9, %get3A_10, %get3A_11] : memref<2x1000x128xf32, #tpu.memory_space<vmem>>, vector<1x1000x128xf32>
    %get3A_13 = vector.shape_cast %get3A_12 : vector<1x1000x128xf32> to vector<1000x128xf32>
    %get3A_14 = arith.constant 1 : index
    %get3A_15 = arith.constant 0 : index
    %get3A_16 = arith.constant 0 : index
    %get3A_17 = vector.load %arg2[%get3A_14, %get3A_15, %get3A_16] : memref<2x1000x128xf32, #tpu.memory_space<vmem>>, vector<1x1000x128xf32>
    %get3A_18 = vector.shape_cast %get3A_17 : vector<1x1000x128xf32> to vector<1000x128xf32>
    %concatenate3A = tpu.concatenate %get3A_13, %get3A_18 in 1 : vector<1000x128xf32>, vector<1000x128xf32> -> vector<1000x256xf32>
    %mul3A = vector.broadcast %div3A_8 : vector<1000x1xf32> to vector<1000x256xf32>
    %mul3A_19 = arith.mulf %concatenate3A, %mul3A : vector<1000x256xf32>
    %get3A_20 = arith.constant 0 : index
    %get3A_21 = arith.constant 0 : index
    %get3A_22 = vector.load %arg1[%get3A_20, %get3A_21] : memref<1000x256xf32, #tpu.memory_space<vmem>>, vector<1000x256xf32>
    %add3A = arith.addf %get3A_22, %mul3A_19 : vector<1000x256xf32>
    %convert_element_type3A = arith.truncf %add3A : vector<1000x256xf32> to vector<1000x256xbf16>
    %get3A_23 = arith.constant 0 : index
    %get3A_24 = arith.constant 0 : index
    %get3A_25 = vector.load %arg4[%get3A_23, %get3A_24] : memref<256x512xf32, #tpu.memory_space<vmem>>, vector<256x512xf32>
    %convert_element_type3A_26 = arith.truncf %get3A_25 : vector<256x512xf32> to vector<256x512xbf16>
    %dot_general3A = arith.constant dense<0.000000e+00> : vector<1000x512xf32>
    %dot_general3A_27 = tpu.matmul %convert_element_type3A, %convert_element_type3A_26, %dot_general3A {dimension_numbers = #tpu.dot_dimension_numbers<[1], [0], [0], [1], [0, 0, 1, 1], [], []>, transpose_lhs_hint = false} : vector<1000x256xbf16>, vector<256x512xbf16>, vector<1000x512xf32> -> vector<1000x512xf32>
    %get3A_28 = arith.constant 0 : index
    %get3A_29 = arith.constant 0 : index
    %get3A_30 = vector.load %arg5[%get3A_28, %get3A_29] : memref<1x512xf32, #tpu.memory_space<vmem>>, vector<1x512xf32>
    %add3A_31 = vector.broadcast %get3A_30 : vector<1x512xf32> to vector<1000x512xf32>
    %add3A_32 = arith.addf %dot_general3A_27, %add3A_31 : vector<1000x512xf32>
    %max3A_33 = arith.constant 0.000000e+00 : f32
    %max3A_34 = vector.broadcast %max3A_33 : f32 to vector<1000x512xf32>
    %max3A_35 = arith.maximumf %add3A_32, %max3A_34 : vector<1000x512xf32>
    %slice3A = vector.extract_strided_slice %max3A_35 {offsets = [0, 0], sizes = [1000, 128], strides = [1, 1]} : vector<1000x512xf32> to vector<1000x128xf32>
    %swap3A = arith.constant 0 : index
    %swap3A_36 = arith.constant 0 : index
    %swap3A_37 = arith.constant 0 : index
    %swap3A_38 = vector.load %arg6[%swap3A, %swap3A_36, %swap3A_37] : memref<4x1000x128xf32, #tpu.memory_space<vmem>>, vector<1x1000x128xf32>
    %swap3A_39 = vector.shape_cast %swap3A_38 : vector<1x1000x128xf32> to vector<1000x128xf32>
    %swap3A_40 = vector.shape_cast %slice3A : vector<1000x128xf32> to vector<1x1000x128xf32>
    tpu.vector_store %arg6[%swap3A, %swap3A_36, %swap3A_37], %swap3A_40 {strides = array<i32>} : memref<4x1000x128xf32, #tpu.memory_space<vmem>>, vector<1x1000x128xf32>,
    %slice3A_41 = vector.extract_strided_slice %max3A_35 {offsets = [0, 128], sizes = [1000, 128], strides = [1, 1]} : vector<1000x512xf32> to vector<1000x128xf32>
    %swap3A_42 = arith.constant 1 : index
    %swap3A_43 = arith.constant 0 : index
    %swap3A_44 = arith.constant 0 : index
    %swap3A_45 = vector.load %arg6[%swap3A_42, %swap3A_43, %swap3A_44] : memref<4x1000x128xf32, #tpu.memory_space<vmem>>, vector<1x1000x128xf32>
    %swap3A_46 = vector.shape_cast %swap3A_45 : vector<1x1000x128xf32> to vector<1000x128xf32>
    %swap3A_47 = vector.shape_cast %slice3A_41 : vector<1000x128xf32> to vector<1x1000x128xf32>
    tpu.vector_store %arg6[%swap3A_42, %swap3A_43, %swap3A_44], %swap3A_47 {strides = array<i32>} : memref<4x1000x128xf32, #tpu.memory_space<vmem>>, vector<1x1000x128xf32>,
    %slice3A_48 = vector.extract_strided_slice %max3A_35 {offsets = [0, 256], sizes = [1000, 128], strides = [1, 1]} : vector<1000x512xf32> to vector<1000x128xf32>
    %swap3A_49 = arith.constant 2 : index
    %swap3A_50 = arith.constant 0 : index
    %swap3A_51 = arith.constant 0 : index
    %swap3A_52 = vector.load %arg6[%swap3A_49, %swap3A_50, %swap3A_51] : memref<4x1000x128xf32, #tpu.memory_space<vmem>>, vector<1x1000x128xf32>
    %swap3A_53 = vector.shape_cast %swap3A_52 : vector<1x1000x128xf32> to vector<1000x128xf32>
    %swap3A_54 = vector.shape_cast %slice3A_48 : vector<1000x128xf32> to vector<1x1000x128xf32>
    tpu.vector_store %arg6[%swap3A_49, %swap3A_50, %swap3A_51], %swap3A_54 {strides = array<i32>} : memref<4x1000x128xf32, #tpu.memory_space<vmem>>, vector<1x1000x128xf32>,
    %slice3A_55 = vector.extract_strided_slice %max3A_35 {offsets = [0, 384], sizes = [1000, 128], strides = [1, 1]} : vector<1000x512xf32> to vector<1000x128xf32>
    %swap3A_56 = arith.constant 3 : index
    %swap3A_57 = arith.constant 0 : index
    %swap3A_58 = arith.constant 0 : index
    %swap3A_59 = vector.load %arg6[%swap3A_56, %swap3A_57, %swap3A_58] : memref<4x1000x128xf32, #tpu.memory_space<vmem>>, vector<1x1000x128xf32>
    %swap3A_60 = vector.shape_cast %swap3A_59 : vector<1x1000x128xf32> to vector<1000x128xf32>
    %swap3A_61 = vector.shape_cast %slice3A_55 : vector<1000x128xf32> to vector<1x1000x128xf32>
    tpu.vector_store %arg6[%swap3A_56, %swap3A_57, %swap3A_58], %swap3A_61 {strides = array<i32>} : memref<4x1000x128xf32, #tpu.memory_space<vmem>>, vector<1x1000x128xf32>,
    return
  }
  func.func @transform_0(%arg0: i32) -> (i32, i32) {
    %c0_i32 = arith.constant 0 : i32
    %c0_i32_0 = arith.constant 0 : i32
    return %arg0, %c0_i32 : i32, i32
  }
  func.func @transform_1(%arg0: i32) -> (i32, i32, i32) {
    %c0_i32 = arith.constant 0 : i32
    %c0_i32_0 = arith.constant 0 : i32
    %c0_i32_1 = arith.constant 0 : i32
    return %c0_i32, %arg0, %c0_i32_0 : i32, i32, i32
  }
  func.func @transform_2(%arg0: i32) -> (i32, i32, i32) {
    %c0_i32 = arith.constant 0 : i32
    %c0_i32_0 = arith.constant 0 : i32
    %c0_i32_1 = arith.constant 0 : i32
    return %arg0, %c0_i32, %c0_i32_0 : i32, i32, i32
  }
  func.func @transform_3(%arg0: i32) -> (i32, i32) {
    %c0_i32 = arith.constant 0 : i32
    %c0_i32_0 = arith.constant 0 : i32
    %c0_i32_1 = arith.constant 0 : i32
    return %c0_i32, %c0_i32_0 : i32, i32
  }
  func.func @transform_4(%arg0: i32) -> (i32, i32) {
    %c0_i32 = arith.constant 0 : i32
    %c0_i32_0 = arith.constant 0 : i32
    %c0_i32_1 = arith.constant 0 : i32
    return %c0_i32, %c0_i32_0 : i32, i32
  }
  func.func @transform_5(%arg0: i32) -> (i32, i32, i32) {
    %c0_i32 = arith.constant 0 : i32
    %c0_i32_0 = arith.constant 0 : i32
    %c0_i32_1 = arith.constant 0 : i32
    return %c0_i32, %arg0, %c0_i32_0 : i32, i32, i32
  }
}

module attributes {stable_mosaic.version = 14 : i64} {
  func.func @body(%arg0: i32, %arg1: memref<4x1000x128xf32, #tpu.memory_space<vmem>>, %arg2: memref<4x1000x128xf32, #tpu.memory_space<vmem>>, %arg3: memref<1x16x1000xf32, #tpu.memory_space<vmem>>, %arg4: memref<512x512xf32, #tpu.memory_space<vmem>>, %arg5: memref<1x512xf32, #tpu.memory_space<vmem>>, %arg6: memref<1x512xf32, #tpu.memory_space<vmem>>) attributes {dimension_semantics = [#tpu.dimension_semantics<arbitrary>], iteration_bounds = array<i64: 10>, scalar_prefetch = 0 : i64, scratch_operands = 0 : i64, tpu.core_type = #tpu.core_type<tc>, window_params = [{transform_indices = @transform_0, window_bounds = array<i64: 4, 1000, 128>}, {transform_indices = @transform_1, window_bounds = array<i64: 4, 1000, 128>}, {transform_indices = @transform_2, window_bounds = array<i64: 1, 16, 1000>}, {pipeline_mode = #tpu.pipeline_mode<synchronous>, transform_indices = @transform_3, window_bounds = array<i64: 512, 512>}, {pipeline_mode = #tpu.pipeline_mode<synchronous>, transform_indices = @transform_4, window_bounds = array<i64: 1, 512>}, {pipeline_mode = #tpu.pipeline_mode<synchronous>, transform_indices = @transform_5, window_bounds = array<i64: 1, 512>}]} {
    %get3A = arith.constant 0 : index
    %get3A_0 = arith.constant 0 : index
    %get3A_1 = arith.constant 0 : index
    %get3A_2 = vector.load %arg3[%get3A, %get3A_0, %get3A_1] : memref<1x16x1000xf32, #tpu.memory_space<vmem>>, vector<1x16x1000xf32>
    %get3A_3 = vector.shape_cast %get3A_2 : vector<1x16x1000xf32> to vector<16x1000xf32>
    %reduce_sum3A = arith.constant dense<0.000000e+00> : vector<1000xf32>
    %reduce_sum3A_4 = vector.multi_reduction <add>, %get3A_3, %reduce_sum3A [0] : vector<16x1000xf32> to vector<1000xf32>
    %broadcast_in_dim3A = vector.shape_cast %reduce_sum3A_4 : vector<1000xf32> to vector<1000x1xf32>
    %max3A = arith.constant 1.000000e+00 : f32
    %max3A_5 = vector.broadcast %max3A : f32 to vector<1000x1xf32>
    %max3A_6 = arith.maximumf %broadcast_in_dim3A, %max3A_5 : vector<1000x1xf32>
    %div3A = arith.constant 1.000000e+00 : f32
    %div3A_7 = vector.broadcast %div3A : f32 to vector<1000x1xf32>
    %div3A_8 = arith.divf %div3A_7, %max3A_6 : vector<1000x1xf32>
    %get3A_9 = arith.constant 0 : index
    %get3A_10 = arith.constant 0 : index
    %get3A_11 = arith.constant 0 : index
    %get3A_12 = vector.load %arg1[%get3A_9, %get3A_10, %get3A_11] : memref<4x1000x128xf32, #tpu.memory_space<vmem>>, vector<1x1000x128xf32>
    %get3A_13 = vector.shape_cast %get3A_12 : vector<1x1000x128xf32> to vector<1000x128xf32>
    %get3A_14 = arith.constant 1 : index
    %get3A_15 = arith.constant 0 : index
    %get3A_16 = arith.constant 0 : index
    %get3A_17 = vector.load %arg1[%get3A_14, %get3A_15, %get3A_16] : memref<4x1000x128xf32, #tpu.memory_space<vmem>>, vector<1x1000x128xf32>
    %get3A_18 = vector.shape_cast %get3A_17 : vector<1x1000x128xf32> to vector<1000x128xf32>
    %get3A_19 = arith.constant 2 : index
    %get3A_20 = arith.constant 0 : index
    %get3A_21 = arith.constant 0 : index
    %get3A_22 = vector.load %arg1[%get3A_19, %get3A_20, %get3A_21] : memref<4x1000x128xf32, #tpu.memory_space<vmem>>, vector<1x1000x128xf32>
    %get3A_23 = vector.shape_cast %get3A_22 : vector<1x1000x128xf32> to vector<1000x128xf32>
    %get3A_24 = arith.constant 3 : index
    %get3A_25 = arith.constant 0 : index
    %get3A_26 = arith.constant 0 : index
    %get3A_27 = vector.load %arg1[%get3A_24, %get3A_25, %get3A_26] : memref<4x1000x128xf32, #tpu.memory_space<vmem>>, vector<1x1000x128xf32>
    %get3A_28 = vector.shape_cast %get3A_27 : vector<1x1000x128xf32> to vector<1000x128xf32>
    %concatenate3A = tpu.concatenate %get3A_13, %get3A_18, %get3A_23, %get3A_28 in 1 : vector<1000x128xf32>, vector<1000x128xf32>, vector<1000x128xf32>, vector<1000x128xf32> -> vector<1000x512xf32>
    %get3A_29 = arith.constant 0 : index
    %get3A_30 = arith.constant 0 : index
    %get3A_31 = arith.constant 0 : index
    %get3A_32 = vector.load %arg2[%get3A_29, %get3A_30, %get3A_31] : memref<4x1000x128xf32, #tpu.memory_space<vmem>>, vector<1x1000x128xf32>
    %get3A_33 = vector.shape_cast %get3A_32 : vector<1x1000x128xf32> to vector<1000x128xf32>
    %get3A_34 = arith.constant 1 : index
    %get3A_35 = arith.constant 0 : index
    %get3A_36 = arith.constant 0 : index
    %get3A_37 = vector.load %arg2[%get3A_34, %get3A_35, %get3A_36] : memref<4x1000x128xf32, #tpu.memory_space<vmem>>, vector<1x1000x128xf32>
    %get3A_38 = vector.shape_cast %get3A_37 : vector<1x1000x128xf32> to vector<1000x128xf32>
    %get3A_39 = arith.constant 2 : index
    %get3A_40 = arith.constant 0 : index
    %get3A_41 = arith.constant 0 : index
    %get3A_42 = vector.load %arg2[%get3A_39, %get3A_40, %get3A_41] : memref<4x1000x128xf32, #tpu.memory_space<vmem>>, vector<1x1000x128xf32>
    %get3A_43 = vector.shape_cast %get3A_42 : vector<1x1000x128xf32> to vector<1000x128xf32>
    %get3A_44 = arith.constant 3 : index
    %get3A_45 = arith.constant 0 : index
    %get3A_46 = arith.constant 0 : index
    %get3A_47 = vector.load %arg2[%get3A_44, %get3A_45, %get3A_46] : memref<4x1000x128xf32, #tpu.memory_space<vmem>>, vector<1x1000x128xf32>
    %get3A_48 = vector.shape_cast %get3A_47 : vector<1x1000x128xf32> to vector<1000x128xf32>
    %concatenate3A_49 = tpu.concatenate %get3A_33, %get3A_38, %get3A_43, %get3A_48 in 1 : vector<1000x128xf32>, vector<1000x128xf32>, vector<1000x128xf32>, vector<1000x128xf32> -> vector<1000x512xf32>
    %mul3A = vector.broadcast %div3A_8 : vector<1000x1xf32> to vector<1000x512xf32>
    %mul3A_50 = arith.mulf %concatenate3A_49, %mul3A : vector<1000x512xf32>
    %add3A = arith.addf %concatenate3A, %mul3A_50 : vector<1000x512xf32>
    %convert_element_type3A = arith.truncf %add3A : vector<1000x512xf32> to vector<1000x512xbf16>
    %get3A_51 = arith.constant 0 : index
    %get3A_52 = arith.constant 0 : index
    %get3A_53 = vector.load %arg4[%get3A_51, %get3A_52] : memref<512x512xf32, #tpu.memory_space<vmem>>, vector<512x512xf32>
    %convert_element_type3A_54 = arith.truncf %get3A_53 : vector<512x512xf32> to vector<512x512xbf16>
    %dot_general3A = arith.constant dense<0.000000e+00> : vector<1000x512xf32>
    %dot_general3A_55 = tpu.matmul %convert_element_type3A, %convert_element_type3A_54, %dot_general3A {dimension_numbers = #tpu.dot_dimension_numbers<[1], [0], [0], [1], [0, 0, 1, 1], [], []>, transpose_lhs_hint = false} : vector<1000x512xbf16>, vector<512x512xbf16>, vector<1000x512xf32> -> vector<1000x512xf32>
    %get3A_56 = arith.constant 0 : index
    %get3A_57 = arith.constant 0 : index
    %get3A_58 = vector.load %arg5[%get3A_56, %get3A_57] : memref<1x512xf32, #tpu.memory_space<vmem>>, vector<1x512xf32>
    %add3A_59 = vector.broadcast %get3A_58 : vector<1x512xf32> to vector<1000x512xf32>
    %add3A_60 = arith.addf %dot_general3A_55, %add3A_59 : vector<1000x512xf32>
    %max3A_61 = arith.constant 0.000000e+00 : f32
    %max3A_62 = vector.broadcast %max3A_61 : f32 to vector<1000x512xf32>
    %max3A_63 = arith.maximumf %add3A_60, %max3A_62 : vector<1000x512xf32>
    %reduce_sum3A_64 = arith.constant dense<0.000000e+00> : vector<512xf32>
    %reduce_sum3A_65 = vector.multi_reduction <add>, %max3A_63, %reduce_sum3A_64 [0] : vector<1000x512xf32> to vector<512xf32>
    %broadcast_in_dim3A_66 = vector.shape_cast %reduce_sum3A_65 : vector<512xf32> to vector<1x512xf32>
    %mul3A_67 = arith.constant 9.99999974E-5 : f32
    %mul3A_68 = vector.broadcast %mul3A_67 : f32 to vector<1x512xf32>
    %mul3A_69 = arith.mulf %broadcast_in_dim3A_66, %mul3A_68 : vector<1x512xf32>
    %eq3A = arith.constant 0 : i32
    %eq3A_70 = arith.cmpi eq, %arg0, %eq3A : i32
    %convert_element_type3A_71 = arith.extui %eq3A_70 : i1 to i32
    %cond3A = arith.constant 0 : i32
    %cond3A_72 = arith.cmpi ne, %convert_element_type3A_71, %cond3A : i32
    scf.if %cond3A_72 {
      %swap3A = arith.constant 0 : index
      %swap3A_77 = arith.constant 0 : index
      %swap3A_78 = vector.load %arg6[%swap3A, %swap3A_77] : memref<1x512xf32, #tpu.memory_space<vmem>>, vector<1x512xf32>
      tpu.vector_store %arg6[%swap3A, %swap3A_77], %mul3A_69 {strides = array<i32>} : memref<1x512xf32, #tpu.memory_space<vmem>>, vector<1x512xf32>,
    } else {
    }
    %gt3A = arith.constant 0 : i32
    %gt3A_73 = arith.cmpi sgt, %arg0, %gt3A : i32
    %convert_element_type3A_74 = arith.extui %gt3A_73 : i1 to i32
    %cond3A_75 = arith.constant 0 : i32
    %cond3A_76 = arith.cmpi ne, %convert_element_type3A_74, %cond3A_75 : i32
    scf.if %cond3A_76 {
      %get3A_77 = arith.constant 0 : index
      %get3A_78 = arith.constant 0 : index
      %get3A_79 = vector.load %arg6[%get3A_77, %get3A_78] : memref<1x512xf32, #tpu.memory_space<vmem>>, vector<1x512xf32>
      %add3A_80 = arith.addf %get3A_79, %mul3A_69 : vector<1x512xf32>
      %swap3A = arith.constant 0 : index
      %swap3A_81 = arith.constant 0 : index
      %swap3A_82 = vector.load %arg6[%swap3A, %swap3A_81] : memref<1x512xf32, #tpu.memory_space<vmem>>, vector<1x512xf32>
      tpu.vector_store %arg6[%swap3A, %swap3A_81], %add3A_80 {strides = array<i32>} : memref<1x512xf32, #tpu.memory_space<vmem>>, vector<1x512xf32>,
    } else {
    }
    return
  }
  func.func @transform_0(%arg0: i32) -> (i32, i32, i32) {
    %c0_i32 = arith.constant 0 : i32
    %c0_i32_0 = arith.constant 0 : i32
    %c0_i32_1 = arith.constant 0 : i32
    return %c0_i32, %arg0, %c0_i32_0 : i32, i32, i32
  }
  func.func @transform_1(%arg0: i32) -> (i32, i32, i32) {
    %c0_i32 = arith.constant 0 : i32
    %c0_i32_0 = arith.constant 0 : i32
    %c0_i32_1 = arith.constant 0 : i32
    return %c0_i32, %arg0, %c0_i32_0 : i32, i32, i32
  }
  func.func @transform_2(%arg0: i32) -> (i32, i32, i32) {
    %c0_i32 = arith.constant 0 : i32
    %c0_i32_0 = arith.constant 0 : i32
    %c0_i32_1 = arith.constant 0 : i32
    return %arg0, %c0_i32, %c0_i32_0 : i32, i32, i32
  }
  func.func @transform_3(%arg0: i32) -> (i32, i32) {
    %c0_i32 = arith.constant 0 : i32
    %c0_i32_0 = arith.constant 0 : i32
    %c0_i32_1 = arith.constant 0 : i32
    return %c0_i32, %c0_i32_0 : i32, i32
  }
  func.func @transform_4(%arg0: i32) -> (i32, i32) {
    %c0_i32 = arith.constant 0 : i32
    %c0_i32_0 = arith.constant 0 : i32
    %c0_i32_1 = arith.constant 0 : i32
    return %c0_i32, %c0_i32_0 : i32, i32
  }
  func.func @transform_5(%arg0: i32) -> (i32, i32) {
    %c0_i32 = arith.constant 0 : i32
    %c0_i32_0 = arith.constant 0 : i32
    %c0_i32_1 = arith.constant 0 : i32
    return %c0_i32, %c0_i32_0 : i32, i32
  }
}

</mosaic_0001>

<sc_bundles>
// kernel: kernel.6.cloned.1.call-start
scs
__scs_entry_jumppad:
0x0: {  	(pc) =	sbr.rel $0x88, $3  }
0x1: {  	(tag) =	ssettag $0x0;
	lr =	simm.s32 $0x1  }
0x2: {  	[smem:$0x3F9B] =	sst lr;
	_ =	strace $0xD0000000  }
0x3: {  	_ = 	snop  }
0x4: {  	_ = 	snop  }
0x5: {  	_ = 	snop  }
0x6: {  	_ = 	snop  }
0x7: {  	_ = 	snop  }
__scs_overlays_trampoline_lowered:
0x8: {  	[smem:$0x3FAA] =	sst s0  }
0x9: {  	[smem:$0x3FAB] =	sst s1  }
0xa: {  	[smem:$0x3FAC] =	sst s2  }
0xb: {  	[smem:$0x3FAD] =	sst s3  }
0xc: {  	[smem:$0x3FAE] =	sst s4  }
0xd: {  	[smem:$0x3FAF] =	sst s5  }
0xe: {  	[smem:$0x3FB0] =	sst s6  }
0xf: {  	[smem:$0x3FB1] =	sst s7  }
0x10: {  	[smem:$0x3FB2] =	sst s8  }
0x11: {  	[smem:$0x3FB3] =	sst s9;
	s0 =	simm.s32 @!p0 $0x0  }
0x12: {  	s1 =	sld [smem:$0x3F99];
	s0 =	simm.s32 @p0 $0x1  }
0x13: {  	[smem:$0x3FB4] =	sst s0;
	s0 =	simm.s32 @!p1 $0x0  }
0x14: {  	s2 =	sld [smem:$0x3F98];
	s0 =	simm.s32 @p1 $0x1  }
0x15: {  	[smem:$0x3FB5] =	sst s0;
	s0 =	simm.s32 @!p2 $0x0  }
0x16: {  	s3 =	sld [smem:$0x3FDB];
	s0 =	simm.s32 @p2 $0x1  }
0x17: {  	s4 =	simm.s32 $0x1BF5;
	[smem:$0x3FB7] =	sst s0  }
0x18: {  	s0 =	sld [smem:$0x3F9A];
	_ =	swait.ge [sflag:s4], $0x0  }
0x19: {  	s7 =	sld [smem:$0x3F9B]  }
0x1a: {  	s8 =	sadd.s32 $0xFFFFE003, lr  }
0x1b: {  	s9 =	sadd.s32 $0xFFFFFEF7, lr;
	s5 =	simm.s32 $0xFFFFFFFF;
	p2 =	slt.u32 s8, $0xFFFFF086  }
0x1c: {  	p1 =	slt.u32 s9, $0xF7A;
	s5 =	simm.s32 @!p2 $0x0  }
0x1d: {  	s5 =	simm.s32 @p1 $0x1;
	p0 =	seq.s32 s7, s2  }
0x1e: {  	s7 =	smul.u32 @!p0 $0xF7A, s2;
	p2 =	seq.s32 @!p0 s5, $0x0  }
0x1f: {  	s9 =	smul.u32 $0xF7A, s1;
	s8 =	simm.s32 @!p0 $0x1BF5;
	p2 =	por !p2, p0  }
0x20: {  	[sflag:s8] =	ssyncset.s32 @!p0 $0xFFFFF086;
	s6 =	sadd.s32 @!p0 s3, s7;
	s7 =	simm.s32 @!p0 $0x108  }
0x21: {  	s3 =	sadd.s32 s3, s9;
	s6 =	sadd.s32 @!p0 $0x88, s6;
	s7 =	simm.s32 @p2 $0x1082  }
0x22: {  	[simem:s7], [sflag:s8] =	dma.local @!p0 [hbm:s6], $0xF7A  }
0x23: {  	s9 =	sor.u32 $0xD0000000, s2;
	s6 =	simm.s32 $0x108;
	_ =	swait.ge @!p0 [sflag:s8], $0x0  }
0x24: {  	s3 =	sadd.s32 $0x88, s3;
	s6 =	simm.s32 @!p1 $0x1082;
	[sflag:s4] =	ssyncset.s32 $0xFFFFF086  }
0x25: {  	[simem:s6], [sflag:s4] =	dma.local [hbm:s3], $0xF7A  }
0x26: {  	[smem:$0x3F9B] =	sst s1;
	(tag) =	ssettag s2;
	_ =	strace s9  }
0x27: {  	s1 =	sld [smem:$0x3FAB]  }
0x28: {  	s2 =	sld [smem:$0x3FAC]  }
0x29: {  	s4 =	sld [smem:$0x3FAE]  }
0x2a: {  	p0 =	seq.s32 s5, $0x0;
	s5 =	sld [smem:$0x3FAF]  }
0x2b: {  	s6 =	sld [smem:$0x3FB0]  }
0x2c: {  	s7 =	sld [smem:$0x3FB1]  }
0x2d: {  	s3 =	simm.s32 $0x108;
	s8 =	sld [smem:$0x3FB2]  }
0x2e: {  	s3 =	simm.s32 @!p0 $0x1082;
	s9 =	sld [smem:$0x3FB3]  }
0x2f: {  	lr =	sadd.s32 s0, s3;
	s0 =	sld [smem:$0x3FAA]  }
0x30: {  	s3 =	sld [smem:$0x3FAD]  }
0x31: {  	[smem:$0x3FB6] =	sst s10  }
0x32: {  	s10 =	sld [smem:$0x3FB4];
	_ =	sdelay $0x3  }
0x33: {  	p0 =	seq.s32 s10, $0x1;
	s10 =	sld [smem:$0x3FB6];
	_ =	sdelay $0x3  }
0x34: {  	[smem:$0x3FB6] =	sst s10  }
0x35: {  	s10 =	sld [smem:$0x3FB5];
	_ =	sdelay $0x3  }
0x36: {  	p1 =	seq.s32 s10, $0x1;
	s10 =	sld [smem:$0x3FB6];
	_ =	sdelay $0x3  }
0x37: {  	[smem:$0x3FB6] =	sst s10  }
0x38: {  	s10 =	sld [smem:$0x3FB7]  }
0x39: {  	_ = 	snop;
	(pc) =	sbr.ind lr, $3  }
0x3a: {  	_ = 	snop  }
0x3b: {  	_ = 	snop  }
0x3c: {  	p2 =	seq.s32 s10, $0x1;
	s10 =	sld [smem:$0x3FB6]  }
0x3d: {  	_ =	shalt  }
0x3e: {  	_ =	shalt  }
0x3f: {  	_ =	shalt  }
0x40: {  	_ =	shalt  }
0x41: {  	_ =	shalt  }
0x42: {  	_ =	shalt  }
0x43: {  	_ =	shalt  }
0x44: {  	_ =	shalt  }
0x45: {  	_ =	shalt  }
0x46: {  	_ =	shalt  }
0x47: {  	_ =	shalt  }
0x48: {  	_ =	shalt  }
0x49: {  	_ =	shalt  }
0x4a: {  	_ =	shalt  }
0x4b: {  	_ =	shalt  }
0x4c: {  	_ =	shalt  }
0x4d: {  	_ =	shalt  }
0x4e: {  	_ =	shalt  }
0x4f: {  	_ =	shalt  }
0x50: {  	_ =	shalt  }
0x51: {  	_ =	shalt  }
0x52: {  	_ =	shalt  }
0x53: {  	_ =	shalt  }
0x54: {  	_ =	shalt  }
0x55: {  	_ =	shalt  }
0x56: {  	_ =	shalt  }
0x57: {  	_ =	shalt  }
0x58: {  	_ =	shalt  }
0x59: {  	_ =	shalt  }
0x5a: {  	_ =	shalt  }
0x5b: {  	_ =	shalt  }
0x5c: {  	_ =	shalt  }
0x5d: {  	_ =	shalt  }
0x5e: {  	_ =	shalt  }
0x5f: {  	_ =	shalt  }
0x60: {  	_ =	shalt  }
0x61: {  	_ =	shalt  }
0x62: {  	_ =	shalt  }
0x63: {  	_ =	shalt  }
0x64: {  	_ =	shalt  }
0x65: {  	_ =	shalt  }
0x66: {  	_ =	shalt  }
0x67: {  	_ =	shalt  }
0x68: {  	_ =	shalt  }
0x69: {  	_ =	shalt  }
0x6a: {  	_ =	shalt  }
0x6b: {  	_ =	shalt  }
0x6c: {  	_ =	shalt  }
0x6d: {  	_ =	shalt  }
0x6e: {  	_ =	shalt  }
0x6f: {  	_ =	shalt  }
0x70: {  	_ =	shalt  }
0x71: {  	_ =	shalt  }
0x72: {  	_ =	shalt  }
0x73: {  	_ =	shalt  }
0x74: {  	_ =	shalt  }
0x75: {  	_ =	shalt  }
0x76: {  	_ =	shalt  }
0x77: {  	_ =	shalt  }
0x78: {  	_ =	shalt  }
0x79: {  	_ =	shalt  }
0x7a: {  	_ =	shalt  }
0x7b: {  	_ =	shalt  }
0x7c: {  	_ =	shalt  }
0x7d: {  	_ =	shalt  }
0x7e: {  	_ =	shalt  }
0x7f: {  	_ =	shalt  }
0x80: {  	_ =	shalt  }
0x81: {  	_ =	shalt  }
0x82: {  	_ =	shalt  }
0x83: {  	_ =	shalt  }
0x84: {  	_ =	shalt  }
0x85: {  	_ =	shalt  }
0x86: {  	_ =	shalt  }
0x87: {  	_ =	shalt  }
.Lfunc_end0:
.L_simem_size_0:
called_computation_lowered:
.L_overlay_start_0:
0x88: {  	s2 =	sld [smem:$0x3FD9]  }
0x89: {  	s3 =	sld [smem:$0x3FFE];
	_ =	sdelay $0x1  }
0x8a: {  	s1 =	srdreg.scid  }
0x8b: {  	s0 =	sand.u32 $0x1, s1  }
0x8c: {  	s16 =	sshll.u32 s0, $0xA;
	s2 =	sadd.s32 s3, s2  }
0x8d: {  	s2 =	sadd.s32 s2, s16  }
0x8e: {  	[smem:$0x3FC2] =	sst s2  }
0x8f: {  	_ = 	snop  }
0x90: {  	(tm) =	ssettm $0x1  }
0x91: {  	s17 =	sld [smem:$0x3FFB];
	_ =	sdelay $0x3  }
0x92: {  	_ =	strace s17  }
0x93: {  	s2 =	sld [smem:$0x3FFC];
	_ =	sdelay $0x3  }
0x94: {  	_ =	strace s2  }
0x95: {  	s2 =	sld [smem:$0x3FFD];
	_ =	sdelay $0x3  }
0x96: {  	_ =	strace s2  }
0x97: {  	_ =	strace $0x8FFFFFFF  }
0x98: {  	s18 =	sld [smem:$0x3FDB];
	_ =	sdelay $0x1  }
0x99: {  	s19 =	simm.s32 $_scs_section_size  }
0x9a: {  	s4 =	simm.s32 $_size__tile_overlayer_lowered;
	s5 =	simm.s32 $_tile_overlayer_lowered  }
0x9b: {  	s22 =	simm.s32 $0x1BFF;
	s21 =	sshll.u32 s5, $0x1;
	s2 =	sadd.s32 s19, s18  }
0x9c: {  	s6 =	simm.s32 $0x0;
	s20 =	sshll.u32 s4, $0x1;
	s4 =	sadd.s32 s21, s2  }
0x9d: {  	[timem:s6], [sflag:s22] =	dma.local [hbm:s4], s20  }
0x9e: {  	_ =	swait.ge [sflag:s22], s20  }
0x9f: {  	s3 =	ssub.s32 $0x0, s20;
	[sflag:s22] =	ssyncset.done $0x0  }
0xa0: {  	[sflag:s22] =	ssyncadd.s32 s3;
	_ =	sdelay $0x1  }
0xa1: {  	s23 =	simm.s32 $0x1B8B  }
0xa2: {  	_ =	swait.ge [sflag:s23], $0x1  }
0xa3: {  	[sflag:s23] =	ssyncset.done $0x0  }
0xa4: {  	s25 =	simm.s32 $0x1B8E;
	s24 =	sld [smem:$0x3FFE];
	[sflag:s23] =	ssyncadd.s32 $0xFFFFFFFF  }
0xa5: {  	s26 =	simm.s32 $execute0_lowered;
	[smem:$0x3FD2] =	sst s25  }
0xa6: {  	s4 =	sshll.u32 s26, $0x1;
	_ =	strace $0x80000046;
	[dreg:$0x1] =	wrdreg $0xFFFFFFFF  }
0xa7: {  	s28 =	simm.s32 $_size_execute0_lowered;
	s2 =	sadd.s32 s2, s4;
	[dreg:$0x0] =	wrdreg $0x0  }
0xa8: {  	s4 =	sshll.u32 s28, $0x1;
	[dreg:$0x2] =	wrdreg s2  }
0xa9: {  	[dreg:$0x3] =	wrdreg s4  }
0xaa: {  	[dreg:$0x4] =	wrdreg $0xC0  }
0xab: {  	_ =	task [dreg:s6], $0x5FFFF  }
0xac: {  	[dreg:$0x1] =	wrdreg $0xFFFFFFFF  }
0xad: {  	[dreg:$0x0] =	wrdreg $0x60  }
0xae: {  	[dreg:$0x2] =	wrdreg s24  }
0xaf: {  	[dreg:$0x3] =	wrdreg $0xA0000  }
0xb0: {  	[dreg:$0x4] =	wrdreg $0x9  }
0xb1: {  	_ =	task.clear_ibuf [dreg:s6], $0x5FFFF;
	_ =	strace $0x90000046  }
0xb2: {  	s29 =	simm.s32 $0x9;
	_ =	strace $0x80000048  }
0xb3: {  	_ =	swait.ge [sflag:s29], $0x1  }
0xb4: {  	[sflag:s29] =	ssyncadd.s32 $0xFFFFFFFF  }
0xb5: {  	_ =	strace $0x90000048  }
0xb6: {  	_ =	sfence  }
0xb7: {  	s30 =	sld [smem:$0x0];
	_ =	sdelay $0x2  }
0xb8: {  	s31 =	sshll.u32 s1, $0xD;
	s1 =	sshrl.u32 s1, $0x2  }
0xb9: {  	s3 =	sand.u32 $0x4000, s31;
	s1 =	sadd.s32 s1, s30  }
0xba: {  	s0 =	sor.u32 s3, s0;
	s1 =	sshll.u32 s1, $0x11  }
0xbb: {  	s0 =	sor.u32 s1, s0  }
0xbc: {  	s0 =	sadd.s32 $0x8F2B, s0  }
0xbd: {  	[sflag:s0] =	ssyncadd.remote.s32 $0x1  }
0xbe: {  	_ =	sfence.sel $0xFFFF  }
0xbf: {  	[dreg:$0x0] =	wrdreg $0xFFFFFFFF;
	(pc) =	sbr.abs _section_cstart, $3  }
0xc0: {  	[dreg:$0x1] =	wrdreg $0xFFFFFFFF  }
0xc1: {  	_ =	task.clear_ibuf [dreg:s6], $0x2FFFF;
	_ =	strace $0x9FFFFFFF  }
0xc2: {  	(tm) =	ssettm $0x7FFFFFFF  }
0xc3: {  	_ =	shalt  }
tec
execute0_lowered:
.L_overlay_start_1:
0x0: {  	(tag) =	ssettag $0x1  }
0x1: {  	s8 =	rddreg [dreg:$0x0];
	s0 =	stileid.u32  }
0x2: {  	s1 =	srdreg.scid;
	s2 =	rddreg [dreg:$0x1];
	s4 =	simm.s32 $0x0  }
0x3: {  	s14 =	simm.s32 $0x2780;
	s18 =	simm.s32 $0x50;
	s19 =	simm.s32 $0x4F00  }
0x4: {  	s20 =	simm.s32 $0x7700;
	s21 =	simm.s32 $0x1D880;
	s22 =	simm.s32 $0x1  }
0x5: {  	s23 =	simm.s32 $0x9F00;
	s24 =	simm.s32 $0x2;
	s3 =	smul.u32 $0x2700, s0  }
0x6: {  	s25 =	sand.u32 $0x1, s1;
	s1 =	rddreg [dreg:$0x2];
	s6 =	smul.u32 $0x4E2, s0  }
0x7: {  	s26 =	simm.s32 $0x0;
	[smem:$0x7FF] =	sst s4;
	s9 =	smul.u32 $0x4E000, s0  }
0x8: {  	s17 =	sadd.s32 $0x138000, s2;
	p0 =	sne.s32 s0, $0xF;
	s15 =	sshll.u32 s0, $0x6  }
0x9: {  	s5 =	smul.u32 $0x27100, s25;
	_ =	strace $0x80000047;
	s7 =	ssub.s32 $0x2, s25  }
0xa: {  	s15 =	sor.u32 $0x1C03, s15;
	s17 =	sshrl.u32 @!p0 s17, $0x3;
	p1 =	sne.s32 s25, $0x0  }
0xb: {  	s25 =	simm.s32 $0x9F80;
	s10 =	sadd.s32 s3, s8;
	s30 =	sshrl.u32 s7, $0x1  }
0xc: {  	s12 =	sadd.s32 s6, s8;
	s31 =	sshrl.u32 s9, $0x2;
	s11 =	sadd.s32 s5, s8  }
0xd: {  	s13 =	ssub.s32 s7, s30;
	s5 =	sadd.s32 $0x7E00, s12;
	s6 =	sadd.s32 $0x2E00, s12  }
0xe: {  	s16 =	sadd.s32 s31, s2;
	s7 =	sadd.s32 $0x5B000, s10;
	s8 =	sadd.s32 $0x82000, s8  }
0xf: {  	s9 =	sadd.s32 $0xCE00, s11;
	s10 =	sadd.s32 $0x87200, s11;
	s11 =	sadd.s32 $0x82200, s12  }
0x10: {  	v0 =	vimm.f32 $0.0e+00;
	v1 =	vimm.f32 $1.000000000e+00;
	s12 =	smax.u32 s13, $0x1;
	s13 =	simm.s32 $0x3;
	s16 =	sshrl.u32 s16, $0x3  }
.LBB2_1:
0x11: {  	s28 =	simm.s32 $0x40;
	s29 =	simm.s32 $0x0  }
.LBB2_2:
0x12: {  	p2 =	sne.s32 s28, $0x9C00;
	[tilespmem:s29+$0x1D880] =	vst v0;
	s29 =	smov.u32 s28;
	s28 =	sadd.s32 $0x40, s28  }
.Ltmp0:
0x13: {  	(pc) =	sbr.rel @p2 .LBB2_2-.Ltmp0, $2  }
0x14: {  	_ =	sdelay $0x2  }
0x15: {  	s29 =	sshra.s32 s29, $0x2  }
0x16: {  	[tilespmem:s29+$0x1D880] =	vst v0  }
0x17: {  	[tilespmem:s4], [sflag:$0x3] =	stream.linear.gather [hbm4b:s5+s4], $0x2710, $0x38;
	v63 =	vld [tilespmem:$0x0]  }
0x18: {  	_ =	swait.ge [sflag:s13], $0x2710  }
0x19: {  	[sflag:s13] =	ssyncset.done $0x0  }
0x1a: {  	[sflag:s13] =	ssyncadd.s32 $0xFFFFD8F0  }
0x1b: {  	[tilespmem:s14], [sflag:$0x3] =	stream.linear.gather [hbm4b:s6+s4], $0x2710, $0x38;
	v63 =	vld [tilespmem:$0x0]  }
0x1c: {  	_ =	swait.ge [sflag:s13], $0x2710  }
0x1d: {  	[sflag:s13] =	ssyncset.done $0x0  }
0x1e: {  	[sflag:s13] =	ssyncadd.s32 $0xFFFFD8F0  }
0x1f: {  	[spmem:s16], [sflag:s15] =	dma.local [hbm:s7], $0x2700  }
0x20: {  	_ =	swait.ge [sflag:s13], $0x2700  }
0x21: {  	[sflag:s13] =	ssyncset.done $0x0  }
0x22: {  	s28 =	simm.s32 @!p0 $0x3;
	[sflag:s13] =	ssyncadd.s32 $0xFFFFD900  }
0x23: {  	[spmem:s17], [sflag:s15] =	dma.local @!p0 [hbm:s8], $0x100  }
0x24: {  	_ =	swait.ge @!p0 [sflag:s28], $0x100  }
0x25: {  	[sflag:s28] =	ssyncset.done @!p0 $0x0  }
0x26: {  	[sflag:s28] =	ssyncadd.s32 @!p0 $0xFFFFFF00  }
0x27: {  	s28 =	simm.s32 $0x0;
	[bflag:$0x0] =	sbarrier.arrive $0xFFFF  }
0x28: {  	[tilespmem:s19], [sflag:$0x1] =	stream.indirect.gather [hbm4b:s9+s18], $0x80, s28, s18, $0xb8;
	v63 =	vld [tilespmem:$0x0]  }
.LBB2_4:
0x29: {  	s29 =	sshra.s32 s28, $0x2  }
0x2a: {  	s30 =	sadd.s32 $0x50, s29  }
0x2b: {  	[tilespmem:s20], [sflag:$0x2] =	stream.indirect.gather [hbm4b:s9+s18], $0x80, s30, s18, $0xb8;
	v63 =	vld [tilespmem:$0x0]  }
0x2c: {  	v2 =	vld [tilespmem:s29+$0x2780];
	_ =	sdelay $0x6  }
0x2d: {  	[tilespmem:$0x9F00] =	vst v2  }
0x2e: {  	[tilespmem:v2+s21+$0x0] =	vst.idx.add.f32.msk $0xffff, v1  }
0x2f: {  	v2 =	vld [tilespmem:s29+$0x2790];
	_ =	sdelay $0x6  }
0x30: {  	[tilespmem:$0x9F10] =	vst v2  }
0x31: {  	[tilespmem:v2+s21+$0x0] =	vst.idx.add.f32.msk $0xffff, v1  }
0x32: {  	v2 =	vld [tilespmem:s29+$0x27A0];
	_ =	sdelay $0x6  }
0x33: {  	[tilespmem:$0x9F20] =	vst v2  }
0x34: {  	[tilespmem:v2+s21+$0x0] =	vst.idx.add.f32.msk $0xffff, v1  }
0x35: {  	v2 =	vld [tilespmem:s29+$0x27B0];
	_ =	sdelay $0x6  }
0x36: {  	[tilespmem:$0x9F30] =	vst v2  }
0x37: {  	[tilespmem:v2+s21+$0x0] =	vst.idx.add.f32.msk $0xffff, v1  }
0x38: {  	v2 =	vld [tilespmem:s29+$0x27C0];
	_ =	sdelay $0x6  }
0x39: {  	[tilespmem:$0x9F40] =	vst v2  }
0x3a: {  	[tilespmem:v2+s21+$0x0] =	vst.idx.add.f32.msk $0xffff, v1  }
0x3b: {  	_ =	swait.ge [sflag:s22], $0x2800  }
0x3c: {  	[sflag:s22] =	ssyncset.done $0x0  }
0x3d: {  	[sflag:s22] =	ssyncadd.s32 $0xFFFFD800  }
0x3e: {  	[spmem:s2] =	stream.indirect.scatter.add.f32 [tilespmem:s19], [sflag:$0x3], $0x80, s23, s18, $0xb8;
	v63 =	vld [tilespmem:$0x0]  }
0x3f: {  	_ =	swait.ge [sflag:s13], $0x2800  }
0x40: {  	[sflag:s13] =	ssyncset.done $0x0  }
0x41: {  	s31 =	sadd.s32 $0xA0, s29;
	[sflag:s13] =	ssyncadd.s32 $0xFFFFD800  }
0x42: {  	[tilespmem:s19], [sflag:$0x1] =	stream.indirect.gather [hbm4b:s9+s18], $0x80, s31, s18, $0xb8;
	v63 =	vld [tilespmem:$0x0]  }
0x43: {  	v2 =	vld [tilespmem:s29+$0x27D0];
	_ =	sdelay $0x6  }
0x44: {  	[tilespmem:$0x9F80] =	vst v2  }
0x45: {  	[tilespmem:v2+s21+$0x0] =	vst.idx.add.f32.msk $0xffff, v1  }
0x46: {  	v2 =	vld [tilespmem:s29+$0x27E0];
	_ =	sdelay $0x6  }
0x47: {  	[tilespmem:$0x9F90] =	vst v2  }
0x48: {  	[tilespmem:v2+s21+$0x0] =	vst.idx.add.f32.msk $0xffff, v1  }
0x49: {  	v2 =	vld [tilespmem:s29+$0x27F0];
	_ =	sdelay $0x6  }
0x4a: {  	[tilespmem:$0x9FA0] =	vst v2  }
0x4b: {  	[tilespmem:v2+s21+$0x0] =	vst.idx.add.f32.msk $0xffff, v1  }
0x4c: {  	v2 =	vld [tilespmem:s29+$0x2800];
	_ =	sdelay $0x6  }
0x4d: {  	[tilespmem:$0x9FB0] =	vst v2  }
0x4e: {  	[tilespmem:v2+s21+$0x0] =	vst.idx.add.f32.msk $0xffff, v1  }
0x4f: {  	v2 =	vld [tilespmem:s29+$0x2810];
	_ =	sdelay $0x6  }
0x50: {  	[tilespmem:$0x9FC0] =	vst v2  }
0x51: {  	[tilespmem:v2+s21+$0x0] =	vst.idx.add.f32.msk $0xffff, v1  }
0x52: {  	_ =	swait.ge [sflag:s24], $0x2800  }
0x53: {  	p2 =	sne.s32 s28, $0x9880;
	[sflag:s24] =	ssyncset.done $0x0  }
.Ltmp1:
0x54: {  	[sflag:s24] =	ssyncadd.s32 $0xFFFFD800;
	(pc) =	sbr.rel @p2 .LBB2_4-.Ltmp1, $4  }
0x55: {  	[spmem:s2] =	stream.indirect.scatter.add.f32 [tilespmem:s20], [sflag:$0x3], $0x80, s25, s18, $0xb8;
	v63 =	vld [tilespmem:$0x0]  }
0x56: {  	_ =	swait.ge [sflag:s13], $0x2800  }
0x57: {  	[sflag:s13] =	ssyncset.done $0x0  }
0x58: {  	s28 =	sadd.s32 $0x280, s28;
	[sflag:s13] =	ssyncadd.s32 $0xFFFFD800  }
0x59: {  	v2 =	vld [tilespmem:$0x4E40];
	_ =	sdelay $0x6  }
0x5a: {  	[tilespmem:$0x9F00] =	vst v2  }
0x5b: {  	[tilespmem:v2+s21+$0x0] =	vst.idx.add.f32.msk $0xffff, v1  }
0x5c: {  	v2 =	vld [tilespmem:$0x4E50];
	_ =	sdelay $0x6  }
0x5d: {  	[tilespmem:$0x9F10] =	vst v2  }
0x5e: {  	[tilespmem:v2+s21+$0x0] =	vst.idx.add.f32.msk $0xffff, v1  }
0x5f: {  	v2 =	vld [tilespmem:$0x4E60];
	_ =	sdelay $0x6  }
0x60: {  	[tilespmem:$0x9F20] =	vst v2  }
0x61: {  	[tilespmem:v2+s21+$0x0] =	vst.idx.add.f32.msk $0xffff, v1  }
0x62: {  	v2 =	vld [tilespmem:$0x4E70];
	_ =	sdelay $0x6  }
0x63: {  	[tilespmem:$0x9F30] =	vst v2  }
0x64: {  	[tilespmem:v2+s21+$0x0] =	vst.idx.add.f32.msk $0xffff, v1  }
0x65: {  	v2 =	vld [tilespmem:$0x4E80];
	_ =	sdelay $0x6  }
0x66: {  	[tilespmem:$0x9F40] =	vst v2  }
0x67: {  	[tilespmem:v2+s21+$0x0] =	vst.idx.add.f32.msk $0xffff, v1  }
0x68: {  	_ =	swait.ge [sflag:s22], $0x2800  }
0x69: {  	[sflag:s22] =	ssyncset.done $0x0  }
0x6a: {  	[sflag:s22] =	ssyncadd.s32 $0xFFFFD800  }
0x6b: {  	[spmem:s2] =	stream.indirect.scatter.add.f32 [tilespmem:s19], [sflag:$0x3], $0x80, s23, s18, $0xb8;
	v63 =	vld [tilespmem:$0x0]  }
0x6c: {  	_ =	swait.ge [sflag:s13], $0x2800  }
0x6d: {  	[sflag:s13] =	ssyncset.done $0x0  }
0x6e: {  	[sflag:s13] =	ssyncadd.s32 $0xFFFFD800  }
0x6f: {  	s28 =	sadd.s32 s3, s10;
	[bflag:$0x0] =	sbarrier.arrive $0xFFFF  }
0x70: {  	[hbm:s28], [sflag:s15] =	dma.local [spmem:s16], $0x2700  }
0x71: {  	_ =	swait.ge [sflag:s13], $0x2700  }
0x72: {  	[sflag:s13] =	ssyncset.done $0x0  }
0x73: {  	s28 =	sadd.s32 @!p0 $0x27000, s10;
	[sflag:s13] =	ssyncadd.s32 $0xFFFFD900  }
0x74: {  	[hbm:s28], [sflag:s15] =	dma.local @!p0 [spmem:s17], $0x100  }
0x75: {  	s28 =	simm.s32 @!p0 $0x3  }
0x76: {  	_ =	swait.ge @!p0 [sflag:s28], $0x100  }
0x77: {  	s29 =	simm.s32 @!p1 $0x1D880;
	s26 =	sadd.s32 $0x1, s26;
	[sflag:s28] =	ssyncset.done @!p0 $0x0  }
0x78: {  	p2 =	sne.s32 s26, s12;
	[sflag:s28] =	ssyncadd.s32 @!p0 $0xFFFFFF00;
	s28 =	simm.s32 @!p1 $0x0  }
0x79: {  	[hbm4b:s11+s28] =	stream.linear.scatter @!p1 [tilespmem:s29], [sflag:$0x3], $0x2710, $0x38;
	v63 =	vld [tilespmem:$0x0]  }
.Ltmp2:
0x7a: {  	_ = 	snop;
	(pc) =	sbr.rel @p2 .LBB2_1-.Ltmp2, $4  }
0x7b: {  	s28 =	simm.s32 @!p1 $0x3  }
0x7c: {  	_ =	swait.ge @!p1 [sflag:s28], $0x2710  }
0x7d: {  	[sflag:s28] =	ssyncset.done @!p1 $0x0  }
0x7e: {  	[sflag:s28] =	ssyncadd.s32 @!p1 $0xFFFFD8F0  }
0x7f: {  	_ =	sfence.sel $0x180000  }
0x80: {  	[bflag:$0x0] =	sbarrier.arrive $0xFFFF  }
0x81: {  	p0 =	sne.s32 s0, $0x0;
	_ =	strace $0x90000047  }
0x82: {  	s0 =	sadd.s32 @!p0 $0x100000, s1;
	[bflag:$0x2] =	sbarrier.arrive $0xFFFF  }
0x83: {  	[sflag:s0] =	ssyncadd.tile.s32 @!p0 $0x1;
	_ =	shalt  }
.Lfunc_end2:
_tile_overlayer_lowered:
.L_overlay_start_2:
0x84: {  	(tag) =	ssettag $0x2  }
0x85: {  	s0 =	rddreg [dreg:$0x0];
	s2 =	stileid.u32  }
0x86: {  	s1 =	rddreg [dreg:$0x1];
	p0 =	sne.s32 s2, $0x0  }
0x87: {  	s3 =	rddreg [dreg:$0x2];
	[bflag:$0x3] =	sbarrier.arrive $0xFFFF;
	s2 =	simm.s32 @!p0 $0x1C03  }
0x88: {  	[timem:s3], [sflag:s2] =	dma.local @!p0 [hbm:s0], s1  }
0x89: {  	s0 =	simm.s32 @!p0 $0x3  }
0x8a: {  	_ =	swait.ge @!p0 [sflag:s0], s1  }
0x8b: {  	s1 =	ssub.s32 @!p0 $0x0, s1;
	[sflag:s0] =	ssyncset.done @!p0 $0x0  }
0x8c: {  	[sflag:s0] =	ssyncadd.s32 @!p0 s1  }
0x8d: {  	[bflag:$0x3] =	sbarrier.arrive $0xFFFF  }
0x8e: {  	_ =	shalt  }

// kernel: kernel.9.cloned.1.call-start
scs
__scs_entry_jumppad:
0x0: {  	(pc) =	sbr.rel $0x88, $3  }
0x1: {  	(tag) =	ssettag $0x0;
	lr =	simm.s32 $0x1  }
0x2: {  	[smem:$0x3F9B] =	sst lr;
	_ =	strace $0xD0000000  }
0x3: {  	_ = 	snop  }
0x4: {  	_ = 	snop  }
0x5: {  	_ = 	snop  }
0x6: {  	_ = 	snop  }
0x7: {  	_ = 	snop  }
__scs_overlays_trampoline_lowered:
0x8: {  	[smem:$0x3FAA] =	sst s0  }
0x9: {  	[smem:$0x3FAB] =	sst s1  }
0xa: {  	[smem:$0x3FAC] =	sst s2  }
0xb: {  	[smem:$0x3FAD] =	sst s3  }
0xc: {  	[smem:$0x3FAE] =	sst s4  }
0xd: {  	[smem:$0x3FAF] =	sst s5  }
0xe: {  	[smem:$0x3FB0] =	sst s6  }
0xf: {  	[smem:$0x3FB1] =	sst s7  }
0x10: {  	[smem:$0x3FB2] =	sst s8  }
0x11: {  	[smem:$0x3FB3] =	sst s9;
	s0 =	simm.s32 @!p0 $0x0  }
0x12: {  	s1 =	sld [smem:$0x3F99];
	s0 =	simm.s32 @p0 $0x1  }
0x13: {  	[smem:$0x3FB4] =	sst s0;
	s0 =	simm.s32 @!p1 $0x0  }
0x14: {  	s2 =	sld [smem:$0x3F98];
	s0 =	simm.s32 @p1 $0x1  }
0x15: {  	[smem:$0x3FB5] =	sst s0;
	s0 =	simm.s32 @!p2 $0x0  }
0x16: {  	s3 =	sld [smem:$0x3FDB];
	s0 =	simm.s32 @p2 $0x1  }
0x17: {  	s4 =	simm.s32 $0x1BF5;
	[smem:$0x3FB7] =	sst s0  }
0x18: {  	s0 =	sld [smem:$0x3F9A];
	_ =	swait.ge [sflag:s4], $0x0  }
0x19: {  	s7 =	sld [smem:$0x3F9B]  }
0x1a: {  	s8 =	sadd.s32 $0xFFFFE003, lr  }
0x1b: {  	s9 =	sadd.s32 $0xFFFFFEF7, lr;
	s5 =	simm.s32 $0xFFFFFFFF;
	p2 =	slt.u32 s8, $0xFFFFF086  }
0x1c: {  	p1 =	slt.u32 s9, $0xF7A;
	s5 =	simm.s32 @!p2 $0x0  }
0x1d: {  	s5 =	simm.s32 @p1 $0x1;
	p0 =	seq.s32 s7, s2  }
0x1e: {  	s7 =	smul.u32 @!p0 $0xF7A, s2;
	p2 =	seq.s32 @!p0 s5, $0x0  }
0x1f: {  	s9 =	smul.u32 $0xF7A, s1;
	s8 =	simm.s32 @!p0 $0x1BF5;
	p2 =	por !p2, p0  }
0x20: {  	[sflag:s8] =	ssyncset.s32 @!p0 $0xFFFFF086;
	s6 =	sadd.s32 @!p0 s3, s7;
	s7 =	simm.s32 @!p0 $0x108  }
0x21: {  	s3 =	sadd.s32 s3, s9;
	s6 =	sadd.s32 @!p0 $0x88, s6;
	s7 =	simm.s32 @p2 $0x1082  }
0x22: {  	[simem:s7], [sflag:s8] =	dma.local @!p0 [hbm:s6], $0xF7A  }
0x23: {  	s9 =	sor.u32 $0xD0000000, s2;
	s6 =	simm.s32 $0x108;
	_ =	swait.ge @!p0 [sflag:s8], $0x0  }
0x24: {  	s3 =	sadd.s32 $0x88, s3;
	s6 =	simm.s32 @!p1 $0x1082;
	[sflag:s4] =	ssyncset.s32 $0xFFFFF086  }
0x25: {  	[simem:s6], [sflag:s4] =	dma.local [hbm:s3], $0xF7A  }
0x26: {  	[smem:$0x3F9B] =	sst s1;
	(tag) =	ssettag s2;
	_ =	strace s9  }
0x27: {  	s1 =	sld [smem:$0x3FAB]  }
0x28: {  	s2 =	sld [smem:$0x3FAC]  }
0x29: {  	s4 =	sld [smem:$0x3FAE]  }
0x2a: {  	p0 =	seq.s32 s5, $0x0;
	s5 =	sld [smem:$0x3FAF]  }
0x2b: {  	s6 =	sld [smem:$0x3FB0]  }
0x2c: {  	s7 =	sld [smem:$0x3FB1]  }
0x2d: {  	s3 =	simm.s32 $0x108;
	s8 =	sld [smem:$0x3FB2]  }
0x2e: {  	s3 =	simm.s32 @!p0 $0x1082;
	s9 =	sld [smem:$0x3FB3]  }
0x2f: {  	lr =	sadd.s32 s0, s3;
	s0 =	sld [smem:$0x3FAA]  }
0x30: {  	s3 =	sld [smem:$0x3FAD]  }
0x31: {  	[smem:$0x3FB6] =	sst s10  }
0x32: {  	s10 =	sld [smem:$0x3FB4];
	_ =	sdelay $0x3  }
0x33: {  	p0 =	seq.s32 s10, $0x1;
	s10 =	sld [smem:$0x3FB6];
	_ =	sdelay $0x3  }
0x34: {  	[smem:$0x3FB6] =	sst s10  }
0x35: {  	s10 =	sld [smem:$0x3FB5];
	_ =	sdelay $0x3  }
0x36: {  	p1 =	seq.s32 s10, $0x1;
	s10 =	sld [smem:$0x3FB6];
	_ =	sdelay $0x3  }
0x37: {  	[smem:$0x3FB6] =	sst s10  }
0x38: {  	s10 =	sld [smem:$0x3FB7]  }
0x39: {  	_ = 	snop;
	(pc) =	sbr.ind lr, $3  }
0x3a: {  	_ = 	snop  }
0x3b: {  	_ = 	snop  }
0x3c: {  	p2 =	seq.s32 s10, $0x1;
	s10 =	sld [smem:$0x3FB6]  }
0x3d: {  	_ =	shalt  }
0x3e: {  	_ =	shalt  }
0x3f: {  	_ =	shalt  }
0x40: {  	_ =	shalt  }
0x41: {  	_ =	shalt  }
0x42: {  	_ =	shalt  }
0x43: {  	_ =	shalt  }
0x44: {  	_ =	shalt  }
0x45: {  	_ =	shalt  }
0x46: {  	_ =	shalt  }
0x47: {  	_ =	shalt  }
0x48: {  	_ =	shalt  }
0x49: {  	_ =	shalt  }
0x4a: {  	_ =	shalt  }
0x4b: {  	_ =	shalt  }
0x4c: {  	_ =	shalt  }
0x4d: {  	_ =	shalt  }
0x4e: {  	_ =	shalt  }
0x4f: {  	_ =	shalt  }
0x50: {  	_ =	shalt  }
0x51: {  	_ =	shalt  }
0x52: {  	_ =	shalt  }
0x53: {  	_ =	shalt  }
0x54: {  	_ =	shalt  }
0x55: {  	_ =	shalt  }
0x56: {  	_ =	shalt  }
0x57: {  	_ =	shalt  }
0x58: {  	_ =	shalt  }
0x59: {  	_ =	shalt  }
0x5a: {  	_ =	shalt  }
0x5b: {  	_ =	shalt  }
0x5c: {  	_ =	shalt  }
0x5d: {  	_ =	shalt  }
0x5e: {  	_ =	shalt  }
0x5f: {  	_ =	shalt  }
0x60: {  	_ =	shalt  }
0x61: {  	_ =	shalt  }
0x62: {  	_ =	shalt  }
0x63: {  	_ =	shalt  }
0x64: {  	_ =	shalt  }
0x65: {  	_ =	shalt  }
0x66: {  	_ =	shalt  }
0x67: {  	_ =	shalt  }
0x68: {  	_ =	shalt  }
0x69: {  	_ =	shalt  }
0x6a: {  	_ =	shalt  }
0x6b: {  	_ =	shalt  }
0x6c: {  	_ =	shalt  }
0x6d: {  	_ =	shalt  }
0x6e: {  	_ =	shalt  }
0x6f: {  	_ =	shalt  }
0x70: {  	_ =	shalt  }
0x71: {  	_ =	shalt  }
0x72: {  	_ =	shalt  }
0x73: {  	_ =	shalt  }
0x74: {  	_ =	shalt  }
0x75: {  	_ =	shalt  }
0x76: {  	_ =	shalt  }
0x77: {  	_ =	shalt  }
0x78: {  	_ =	shalt  }
0x79: {  	_ =	shalt  }
0x7a: {  	_ =	shalt  }
0x7b: {  	_ =	shalt  }
0x7c: {  	_ =	shalt  }
0x7d: {  	_ =	shalt  }
0x7e: {  	_ =	shalt  }
0x7f: {  	_ =	shalt  }
0x80: {  	_ =	shalt  }
0x81: {  	_ =	shalt  }
0x82: {  	_ =	shalt  }
0x83: {  	_ =	shalt  }
0x84: {  	_ =	shalt  }
0x85: {  	_ =	shalt  }
0x86: {  	_ =	shalt  }
0x87: {  	_ =	shalt  }
.Lfunc_end0:
.L_simem_size_0:
called_computation.1_lowered:
.L_overlay_start_0:
0x88: {  	s2 =	sld [smem:$0x3FD9]  }
0x89: {  	s3 =	sld [smem:$0x3FFE];
	_ =	sdelay $0x1  }
0x8a: {  	s1 =	srdreg.scid  }
0x8b: {  	s0 =	sand.u32 $0x1, s1  }
0x8c: {  	s16 =	sshll.u32 s0, $0xA;
	s2 =	sadd.s32 s3, s2  }
0x8d: {  	s2 =	sadd.s32 s2, s16  }
0x8e: {  	[smem:$0x3FC2] =	sst s2  }
0x8f: {  	_ = 	snop  }
0x90: {  	(tm) =	ssettm $0x1  }
0x91: {  	s17 =	sld [smem:$0x3FFB];
	_ =	sdelay $0x3  }
0x92: {  	_ =	strace s17  }
0x93: {  	s2 =	sld [smem:$0x3FFC];
	_ =	sdelay $0x3  }
0x94: {  	_ =	strace s2  }
0x95: {  	s2 =	sld [smem:$0x3FFD];
	_ =	sdelay $0x3  }
0x96: {  	_ =	strace s2  }
0x97: {  	_ =	strace $0x8FFFFFFF  }
0x98: {  	s18 =	sld [smem:$0x3FDB];
	_ =	sdelay $0x1  }
0x99: {  	s19 =	simm.s32 $_scs_section_size  }
0x9a: {  	s4 =	simm.s32 $_size__tile_overlayer_lowered;
	s5 =	simm.s32 $_tile_overlayer_lowered  }
0x9b: {  	s22 =	simm.s32 $0x1BFF;
	s21 =	sshll.u32 s5, $0x1;
	s2 =	sadd.s32 s19, s18  }
0x9c: {  	s6 =	simm.s32 $0x0;
	s20 =	sshll.u32 s4, $0x1;
	s4 =	sadd.s32 s21, s2  }
0x9d: {  	[timem:s6], [sflag:s22] =	dma.local [hbm:s4], s20  }
0x9e: {  	_ =	swait.ge [sflag:s22], s20  }
0x9f: {  	s3 =	ssub.s32 $0x0, s20;
	[sflag:s22] =	ssyncset.done $0x0  }
0xa0: {  	[sflag:s22] =	ssyncadd.s32 s3;
	_ =	sdelay $0x1  }
0xa1: {  	s23 =	simm.s32 $0x1B8B  }
0xa2: {  	_ =	swait.ge [sflag:s23], $0x1  }
0xa3: {  	[sflag:s23] =	ssyncset.done $0x0  }
0xa4: {  	s25 =	simm.s32 $0x1B8E;
	s24 =	sld [smem:$0x3FFE];
	[sflag:s23] =	ssyncadd.s32 $0xFFFFFFFF  }
0xa5: {  	s26 =	simm.s32 $execute0_lowered;
	[smem:$0x3FD2] =	sst s25  }
0xa6: {  	s4 =	sshll.u32 s26, $0x1;
	_ =	strace $0x80000049;
	[dreg:$0x1] =	wrdreg $0xFFFFFFFF  }
0xa7: {  	s28 =	simm.s32 $_size_execute0_lowered;
	s2 =	sadd.s32 s2, s4;
	[dreg:$0x0] =	wrdreg $0x0  }
0xa8: {  	s4 =	sshll.u32 s28, $0x1;
	[dreg:$0x2] =	wrdreg s2  }
0xa9: {  	[dreg:$0x3] =	wrdreg s4  }
0xaa: {  	[dreg:$0x4] =	wrdreg $0xC0  }
0xab: {  	_ =	task [dreg:s6], $0x5FFFF  }
0xac: {  	[dreg:$0x1] =	wrdreg $0xFFFFFFFF  }
0xad: {  	[dreg:$0x0] =	wrdreg $0x60  }
0xae: {  	[dreg:$0x2] =	wrdreg s24  }
0xaf: {  	[dreg:$0x3] =	wrdreg $0xA0000  }
0xb0: {  	[dreg:$0x4] =	wrdreg $0x9  }
0xb1: {  	_ =	task.clear_ibuf [dreg:s6], $0x5FFFF;
	_ =	strace $0x90000049  }
0xb2: {  	s29 =	simm.s32 $0x9;
	_ =	strace $0x8000004B  }
0xb3: {  	_ =	swait.ge [sflag:s29], $0x1  }
0xb4: {  	[sflag:s29] =	ssyncadd.s32 $0xFFFFFFFF  }
0xb5: {  	_ =	strace $0x9000004B  }
0xb6: {  	_ =	sfence  }
0xb7: {  	s30 =	sld [smem:$0x0];
	_ =	sdelay $0x2  }
0xb8: {  	s31 =	sshll.u32 s1, $0xD;
	s1 =	sshrl.u32 s1, $0x2  }
0xb9: {  	s3 =	sand.u32 $0x4000, s31;
	s1 =	sadd.s32 s1, s30  }
0xba: {  	s0 =	sor.u32 s3, s0;
	s1 =	sshll.u32 s1, $0x11  }
0xbb: {  	s0 =	sor.u32 s1, s0  }
0xbc: {  	s0 =	sadd.s32 $0x8F2B, s0  }
0xbd: {  	[sflag:s0] =	ssyncadd.remote.s32 $0x1  }
0xbe: {  	_ =	sfence.sel $0xFFFF  }
0xbf: {  	[dreg:$0x0] =	wrdreg $0xFFFFFFFF;
	(pc) =	sbr.abs _section_cstart, $3  }
0xc0: {  	[dreg:$0x1] =	wrdreg $0xFFFFFFFF  }
0xc1: {  	_ =	task.clear_ibuf [dreg:s6], $0x2FFFF;
	_ =	strace $0x9FFFFFFF  }
0xc2: {  	(tm) =	ssettm $0x7FFFFFFF  }
0xc3: {  	_ =	shalt  }
tec
execute0_lowered:
.L_overlay_start_1:
0x0: {  	(tag) =	ssettag $0x1  }
0x1: {  	s0 =	rddreg [dreg:$0x0]  }
0x2: {  	s2 =	rddreg [dreg:$0x1];
	s3 =	simm.s32 $0x0;
	s1 =	stileid.u32  }
0x3: {  	s6 =	srdreg.scid;
	s15 =	simm.s32 $0x3;
	s16 =	simm.s32 $0x2780  }
0x4: {  	s20 =	simm.s32 $0x50;
	s21 =	simm.s32 $0x4F00;
	s22 =	simm.s32 $0x7700  }
0x5: {  	s23 =	simm.s32 $0x1;
	s28 =	simm.s32 $0x0;
	s5 =	smul.u32 $0x4E2, s1  }
0x6: {  	[smem:$0x7FF] =	sst s3;
	s4 =	smul.u32 $0x2700, s1;
	s9 =	sand.u32 $0x1, s6  }
0x7: {  	s12 =	sadd.s32 $0x82200, s0;
	s10 =	smul.u32 $0x4E000, s1;
	s13 =	sadd.s32 $0x11E600, s0  }
0x8: {  	s19 =	sadd.s32 $0x138000, s2;
	p0 =	sne.s32 s1, $0xF;
	s31 =	sshll.u32 s1, $0x6  }
0x9: {  	_ =	strace $0x8000004A;
	s25 =	ssub.s32 $0x2, s9;
	s29 =	smul.u32 $0x271000, s9  }
0xa: {  	s11 =	smul.u32 $0x4E200, s9;
	s9 =	sadd.s32 $0x82000, s0;
	s17 =	sor.u32 $0x1C03, s31  }
0xb: {  	s19 =	sshrl.u32 @!p0 s19, $0x3;
	s24 =	sadd.s32 s5, s0;
	s7 =	sshrl.u32 s25, $0x1  }
0xc: {  	s8 =	sadd.s32 s4, s0;
	s26 =	sshrl.u32 s10, $0x2;
	s14 =	ssub.s32 s25, s7  }
0xd: {  	s5 =	sadd.s32 $0x7E00, s24;
	s6 =	sadd.s32 $0x2E00, s24;
	s7 =	sadd.s32 s26, s2  }
0xe: {  	s8 =	sadd.s32 $0x5B000, s8;
	s30 =	sshrl.u32 s29, $0x3;
	s10 =	sadd.s32 s12, s11  }
0xf: {  	s11 =	sadd.s32 s13, s11;
	s24 =	simm.s32 $0x9F00;
	s25 =	simm.s32 $0x2  }
0x10: {  	s26 =	simm.s32 $0x9F80;
	s0 =	sadd.s32 $0x27100, s30;
	s14 =	smax.u32 s14, $0x1  }
0x11: {  	s18 =	sshrl.u32 s7, $0x3;
	s12 =	sadd.s32 s12, s0;
	s13 =	sadd.s32 s13, s0  }
.LBB2_1:
0x12: {  	[tilespmem:s3], [sflag:$0x3] =	stream.linear.gather [hbm4b:s5+s3], $0x2710, $0x38;
	[tilespmem:$0x1D880] =	vst v63  }
0x13: {  	_ =	swait.ge [sflag:s15], $0x2710  }
0x14: {  	[sflag:s15] =	ssyncset.done $0x0  }
0x15: {  	[sflag:s15] =	ssyncadd.s32 $0xFFFFD8F0  }
0x16: {  	[tilespmem:s16], [sflag:$0x3] =	stream.linear.gather [hbm4b:s6+s3], $0x2710, $0x38;
	[tilespmem:$0x1D880] =	vst v63  }
0x17: {  	_ =	swait.ge [sflag:s15], $0x2710  }
0x18: {  	[sflag:s15] =	ssyncset.done $0x0  }
0x19: {  	[sflag:s15] =	ssyncadd.s32 $0xFFFFD8F0  }
0x1a: {  	[spmem:s18], [sflag:s17] =	dma.local [hbm:s8], $0x2700  }
0x1b: {  	_ =	swait.ge [sflag:s15], $0x2700  }
0x1c: {  	[sflag:s15] =	ssyncset.done $0x0  }
0x1d: {  	s0 =	simm.s32 @!p0 $0x3;
	[sflag:s15] =	ssyncadd.s32 $0xFFFFD900  }
0x1e: {  	[spmem:s19], [sflag:s17] =	dma.local @!p0 [hbm:s9], $0x100  }
0x1f: {  	_ =	swait.ge @!p0 [sflag:s0], $0x100  }
0x20: {  	[sflag:s0] =	ssyncset.done @!p0 $0x0  }
0x21: {  	[sflag:s0] =	ssyncadd.s32 @!p0 $0xFFFFFF00  }
0x22: {  	[bflag:$0x0] =	sbarrier.arrive $0xFFFF  }
0x23: {  	[tilespmem:s21], [sflag:$0x1] =	stream.indirect.gather [hbm4b:s10+s20], $0x80, s3, s20, $0xb8;
	[tilespmem:$0x1D880] =	vst v63  }
0x24: {  	s31 =	simm.s32 $0x0;
	s29 =	simm.s32 $0x50  }
0x25: {  	[tilespmem:s22], [sflag:$0x2] =	stream.indirect.gather [hbm4b:s10+s20], $0x80, s29, s20, $0xb8;
	[tilespmem:$0x1D880] =	vst v63  }
0x26: {  	v0 =	vld [tilespmem:s31+$0x2780];
	_ =	sdelay $0x4  }
0x27: {  	[tilespmem:$0x9F00] =	vst v0  }
0x28: {  	v0 =	vld [tilespmem:s31+$0x2790];
	_ =	sdelay $0x4  }
0x29: {  	[tilespmem:$0x9F10] =	vst v0  }
0x2a: {  	v0 =	vld [tilespmem:s31+$0x27A0];
	_ =	sdelay $0x4  }
0x2b: {  	[tilespmem:$0x9F20] =	vst v0  }
0x2c: {  	v0 =	vld [tilespmem:s31+$0x27B0];
	_ =	sdelay $0x4  }
0x2d: {  	[tilespmem:$0x9F30] =	vst v0  }
0x2e: {  	v0 =	vld [tilespmem:s31+$0x27C0];
	_ =	sdelay $0x4  }
0x2f: {  	[tilespmem:$0x9F40] =	vst v0  }
0x30: {  	_ =	swait.ge [sflag:s23], $0x2800  }
0x31: {  	[sflag:s23] =	ssyncset.done $0x0  }
0x32: {  	[sflag:s23] =	ssyncadd.s32 $0xFFFFD800  }
0x33: {  	[spmem:s2] =	stream.indirect.scatter.add.f32 [tilespmem:s21], [sflag:$0x3], $0x80, s24, s20, $0xb8;
	[tilespmem:$0x1D880] =	vst v63  }
0x34: {  	_ =	swait.ge [sflag:s15], $0x2800  }
0x35: {  	[sflag:s15] =	ssyncset.done $0x0  }
0x36: {  	s29 =	simm.s32 $0xA0;
	[sflag:s15] =	ssyncadd.s32 $0xFFFFD800  }
0x37: {  	[tilespmem:s21], [sflag:$0x1] =	stream.indirect.gather [hbm4b:s10+s20], $0x80, s29, s20, $0xb8;
	[tilespmem:$0x1D880] =	vst v63  }
0x38: {  	v63 =	vld [tilespmem:s31+$0x27D0];
	_ =	sdelay $0x4  }
0x39: {  	[tilespmem:$0x9F80] =	vst v63  }
0x3a: {  	v0 =	vld [tilespmem:s31+$0x27E0];
	_ =	sdelay $0x4  }
0x3b: {  	[tilespmem:$0x9F90] =	vst v0  }
0x3c: {  	v0 =	vld [tilespmem:s31+$0x27F0];
	_ =	sdelay $0x4  }
0x3d: {  	[tilespmem:$0x9FA0] =	vst v0  }
0x3e: {  	v0 =	vld [tilespmem:s31+$0x2800];
	_ =	sdelay $0x4  }
0x3f: {  	[tilespmem:$0x9FB0] =	vst v0  }
0x40: {  	v0 =	vld [tilespmem:s31+$0x2810];
	_ =	sdelay $0x4  }
0x41: {  	[tilespmem:$0x9FC0] =	vst v0  }
0x42: {  	_ =	swait.ge [sflag:s25], $0x2800  }
0x43: {  	[sflag:s25] =	ssyncset.done $0x0  }
0x44: {  	[sflag:s25] =	ssyncadd.s32 $0xFFFFD800  }
0x45: {  	[spmem:s2] =	stream.indirect.scatter.add.f32 [tilespmem:s22], [sflag:$0x3], $0x80, s26, s20, $0xb8;
	[tilespmem:$0x1D880] =	vst v63  }
0x46: {  	_ =	swait.ge [sflag:s15], $0x2800  }
0x47: {  	s30 =	simm.s32 $0x500;
	s29 =	simm.s32 $0xA0;
	[sflag:s15] =	ssyncset.done $0x0  }
.LBB2_2:
0x48: {  	s1 =	sadd.s32 $0x50, s29  }
0x49: {  	[sflag:s15] =	ssyncadd.s32 $0xFFFFD800;
	s31 =	smov.u32 s30;
	s0 =	sadd.s32 $0x280, s30  }
0x4a: {  	[tilespmem:s22], [sflag:$0x2] =	stream.indirect.gather [hbm4b:s10+s20], $0x80, s1, s20, $0xb8;
	[tilespmem:$0x1D880] =	vst v63  }
0x4b: {  	p1 =	sne.s32 s30, $0x9880;
	v0 =	vld [tilespmem:s29+$0x2780];
	_ =	sdelay $0x4  }
0x4c: {  	[tilespmem:$0x9F00] =	vst v0  }
0x4d: {  	v0 =	vld [tilespmem:s29+$0x2790];
	_ =	sdelay $0x4  }
0x4e: {  	[tilespmem:$0x9F10] =	vst v0  }
0x4f: {  	v0 =	vld [tilespmem:s29+$0x27A0];
	_ =	sdelay $0x4  }
0x50: {  	[tilespmem:$0x9F20] =	vst v0  }
0x51: {  	v0 =	vld [tilespmem:s29+$0x27B0];
	_ =	sdelay $0x4  }
0x52: {  	[tilespmem:$0x9F30] =	vst v0  }
0x53: {  	v0 =	vld [tilespmem:s29+$0x27C0];
	_ =	sdelay $0x4  }
0x54: {  	[tilespmem:$0x9F40] =	vst v0  }
0x55: {  	_ =	swait.ge [sflag:s23], $0x2800  }
0x56: {  	[sflag:s23] =	ssyncset.done $0x0  }
0x57: {  	[sflag:s23] =	ssyncadd.s32 $0xFFFFD800  }
0x58: {  	[spmem:s2] =	stream.indirect.scatter.add.f32 [tilespmem:s21], [sflag:$0x3], $0x80, s24, s20, $0xb8;
	[tilespmem:$0x1D880] =	vst v63  }
0x59: {  	_ =	swait.ge [sflag:s15], $0x2800  }
0x5a: {  	[sflag:s15] =	ssyncset.done $0x0  }
0x5b: {  	s1 =	sadd.s32 $0xA0, s29;
	[sflag:s15] =	ssyncadd.s32 $0xFFFFD800  }
0x5c: {  	[tilespmem:s21], [sflag:$0x1] =	stream.indirect.gather [hbm4b:s10+s20], $0x80, s1, s20, $0xb8;
	[tilespmem:$0x1D880] =	vst v63  }
0x5d: {  	v0 =	vld [tilespmem:s29+$0x27D0];
	_ =	sdelay $0x4  }
0x5e: {  	[tilespmem:$0x9F80] =	vst v0  }
0x5f: {  	v0 =	vld [tilespmem:s29+$0x27E0];
	_ =	sdelay $0x4  }
0x60: {  	[tilespmem:$0x9F90] =	vst v0  }
0x61: {  	v0 =	vld [tilespmem:s29+$0x27F0];
	_ =	sdelay $0x4  }
0x62: {  	[tilespmem:$0x9FA0] =	vst v0  }
0x63: {  	v0 =	vld [tilespmem:s29+$0x2800];
	_ =	sdelay $0x4  }
0x64: {  	[tilespmem:$0x9FB0] =	vst v0  }
0x65: {  	v0 =	vld [tilespmem:s29+$0x2810];
	_ =	sdelay $0x4  }
0x66: {  	[tilespmem:$0x9FC0] =	vst v0  }
0x67: {  	_ =	swait.ge [sflag:s25], $0x2800  }
.Ltmp0:
0x68: {  	[sflag:s25] =	ssyncset.done $0x0;
	(pc) =	sbr.rel @p1 .LBB2_2-.Ltmp0, $4  }
0x69: {  	[sflag:s25] =	ssyncadd.s32 $0xFFFFD800  }
0x6a: {  	[spmem:s2] =	stream.indirect.scatter.add.f32 [tilespmem:s22], [sflag:$0x3], $0x80, s26, s20, $0xb8;
	[tilespmem:$0x1D880] =	vst v63  }
0x6b: {  	_ =	swait.ge [sflag:s15], $0x2800  }
0x6c: {  	s30 =	smov.u32 s0;
	s29 =	sshra.s32 s31, $0x2;
	[sflag:s15] =	ssyncset.done $0x0  }
0x6d: {  	s0 =	sadd.s32 $0x50, s29;
	[sflag:s15] =	ssyncadd.s32 $0xFFFFD800  }
0x6e: {  	[tilespmem:s22], [sflag:$0x2] =	stream.indirect.gather [hbm4b:s10+s20], $0x80, s0, s20, $0xb8;
	[tilespmem:$0x1D880] =	vst v63  }
0x6f: {  	v0 =	vld [tilespmem:s29+$0x2780];
	_ =	sdelay $0x4  }
0x70: {  	[tilespmem:$0x9F00] =	vst v0  }
0x71: {  	v0 =	vld [tilespmem:s29+$0x2790];
	_ =	sdelay $0x4  }
0x72: {  	[tilespmem:$0x9F10] =	vst v0  }
0x73: {  	v0 =	vld [tilespmem:s29+$0x27A0];
	_ =	sdelay $0x4  }
0x74: {  	[tilespmem:$0x9F20] =	vst v0  }
0x75: {  	v0 =	vld [tilespmem:s29+$0x27B0];
	_ =	sdelay $0x4  }
0x76: {  	[tilespmem:$0x9F30] =	vst v0  }
0x77: {  	v0 =	vld [tilespmem:s29+$0x27C0];
	_ =	sdelay $0x4  }
0x78: {  	[tilespmem:$0x9F40] =	vst v0  }
0x79: {  	_ =	swait.ge [sflag:s23], $0x2800  }
0x7a: {  	[sflag:s23] =	ssyncset.done $0x0  }
0x7b: {  	[sflag:s23] =	ssyncadd.s32 $0xFFFFD800  }
0x7c: {  	[spmem:s2] =	stream.indirect.scatter.add.f32 [tilespmem:s21], [sflag:$0x3], $0x80, s24, s20, $0xb8;
	[tilespmem:$0x1D880] =	vst v63  }
0x7d: {  	_ =	swait.ge [sflag:s15], $0x2800  }
0x7e: {  	[sflag:s15] =	ssyncset.done $0x0  }
0x7f: {  	s30 =	sadd.s32 $0xA0, s29;
	[sflag:s15] =	ssyncadd.s32 $0xFFFFD800  }
0x80: {  	[tilespmem:s21], [sflag:$0x1] =	stream.indirect.gather [hbm4b:s10+s20], $0x80, s30, s20, $0xb8;
	[tilespmem:$0x1D880] =	vst v63  }
0x81: {  	v60 =	vld [tilespmem:s29+$0x27D0];
	_ =	sdelay $0x4  }
0x82: {  	[tilespmem:$0x9F80] =	vst v60  }
0x83: {  	v0 =	vld [tilespmem:s29+$0x27E0];
	_ =	sdelay $0x4  }
0x84: {  	[tilespmem:$0x9F90] =	vst v0  }
0x85: {  	v0 =	vld [tilespmem:s29+$0x27F0];
	_ =	sdelay $0x4  }
0x86: {  	[tilespmem:$0x9FA0] =	vst v0  }
0x87: {  	v0 =	vld [tilespmem:s29+$0x2800];
	_ =	sdelay $0x4  }
0x88: {  	[tilespmem:$0x9FB0] =	vst v0  }
0x89: {  	v0 =	vld [tilespmem:s29+$0x2810];
	_ =	sdelay $0x4  }
0x8a: {  	[tilespmem:$0x9FC0] =	vst v0  }
0x8b: {  	_ =	swait.ge [sflag:s25], $0x2800  }
0x8c: {  	[sflag:s25] =	ssyncset.done $0x0  }
0x8d: {  	[sflag:s25] =	ssyncadd.s32 $0xFFFFD800  }
0x8e: {  	[spmem:s2] =	stream.indirect.scatter.add.f32 [tilespmem:s22], [sflag:$0x3], $0x80, s26, s20, $0xb8;
	[tilespmem:$0x1D880] =	vst v63  }
0x8f: {  	_ =	swait.ge [sflag:s15], $0x2800  }
0x90: {  	[sflag:s15] =	ssyncset.done $0x0  }
0x91: {  	[sflag:s15] =	ssyncadd.s32 $0xFFFFD800  }
0x92: {  	v61 =	vld [tilespmem:$0x4E40]  }
0x93: {  	v1 =	vld [tilespmem:$0x4E50]  }
0x94: {  	v2 =	vld [tilespmem:$0x4E60]  }
0x95: {  	v3 =	vld [tilespmem:$0x4E70]  }
0x96: {  	v4 =	vld [tilespmem:$0x4E80]  }
0x97: {  	[tilespmem:$0x9F00] =	vst v61  }
0x98: {  	[tilespmem:$0x9F10] =	vst v1  }
0x99: {  	[tilespmem:$0x9F20] =	vst v2  }
0x9a: {  	[tilespmem:$0x9F30] =	vst v3  }
0x9b: {  	[tilespmem:$0x9F40] =	vst v4  }
0x9c: {  	_ =	swait.ge [sflag:s23], $0x2800  }
0x9d: {  	[sflag:s23] =	ssyncset.done $0x0  }
0x9e: {  	[sflag:s23] =	ssyncadd.s32 $0xFFFFD800  }
0x9f: {  	[spmem:s2] =	stream.indirect.scatter.add.f32 [tilespmem:s21], [sflag:$0x3], $0x80, s24, s20, $0xb8;
	[tilespmem:$0x1D880] =	vst v63  }
0xa0: {  	_ =	swait.ge [sflag:s15], $0x2800  }
0xa1: {  	[sflag:s15] =	ssyncset.done $0x0  }
0xa2: {  	[sflag:s15] =	ssyncadd.s32 $0xFFFFD800  }
0xa3: {  	s31 =	sadd.s32 s4, s11;
	[bflag:$0x0] =	sbarrier.arrive $0xFFFF  }
0xa4: {  	[hbm:s31], [sflag:s17] =	dma.local [spmem:s18], $0x2700  }
0xa5: {  	_ =	swait.ge [sflag:s15], $0x2700  }
0xa6: {  	[sflag:s15] =	ssyncset.done $0x0  }
0xa7: {  	[sflag:s15] =	ssyncadd.s32 $0xFFFFD900  }
0xa8: {  	s0 =	sshrl.u32 @p0 s7, $0x3;
	[bflag:$0x0] =	sbarrier.arrive @p0 $0xFFFF  }
0xa9: {  	[spmem:s0], [sflag:s17] =	dma.local @p0 [hbm:s8], $0x2700  }
0xaa: {  	s0 =	simm.s32 @p0 $0x3  }
0xab: {  	_ =	swait.ge @p0 [sflag:s0], $0x2700  }
0xac: {  	[sflag:s0] =	ssyncset.done @p0 $0x0  }
0xad: {  	[sflag:s0] =	ssyncadd.s32 @p0 $0xFFFFD900;
	s0 =	sadd.s32 @!p0 $0x27000, s11  }
0xae: {  	[hbm:s0], [sflag:s17] =	dma.local @!p0 [spmem:s19], $0x100  }
0xaf: {  	s0 =	simm.s32 @!p0 $0x3  }
0xb0: {  	_ =	swait.ge @!p0 [sflag:s0], $0x100  }
0xb1: {  	[sflag:s0] =	ssyncset.done @!p0 $0x0  }
0xb2: {  	[sflag:s0] =	ssyncadd.s32 @!p0 $0xFFFFFF00  }
0xb3: {  	s1 =	sshrl.u32 @!p0 s7, $0x3;
	[bflag:$0x0] =	sbarrier.arrive @!p0 $0xFFFF  }
0xb4: {  	[spmem:s1], [sflag:s17] =	dma.local @!p0 [hbm:s8], $0x2700  }
0xb5: {  	_ =	swait.ge @!p0 [sflag:s0], $0x2700  }
0xb6: {  	[sflag:s0] =	ssyncset.done @!p0 $0x0  }
0xb7: {  	[sflag:s0] =	ssyncadd.s32 @!p0 $0xFFFFD900  }
0xb8: {  	[spmem:s19], [sflag:s17] =	dma.local @!p0 [hbm:s9], $0x100  }
0xb9: {  	_ =	swait.ge @!p0 [sflag:s0], $0x100  }
0xba: {  	[sflag:s0] =	ssyncset.done @!p0 $0x0  }
0xbb: {  	[sflag:s0] =	ssyncadd.s32 @!p0 $0xFFFFFF00  }
0xbc: {  	s1 =	simm.s32 $0x0;
	[bflag:$0x0] =	sbarrier.arrive $0xFFFF  }
0xbd: {  	[tilespmem:s21], [sflag:$0x1] =	stream.indirect.gather [hbm4b:s12+s20], $0x80, s1, s20, $0xb8;
	[tilespmem:$0x1D880] =	vst v63  }
0xbe: {  	s30 =	simm.s32 $0x50;
	s0 =	simm.s32 $0x0  }
0xbf: {  	[tilespmem:s22], [sflag:$0x2] =	stream.indirect.gather [hbm4b:s12+s20], $0x80, s30, s20, $0xb8;
	[tilespmem:$0x1D880] =	vst v63  }
0xc0: {  	v62 =	vld [tilespmem:s0+$0x2780];
	_ =	sdelay $0x4  }
0xc1: {  	[tilespmem:$0x9F00] =	vst v62  }
0xc2: {  	v0 =	vld [tilespmem:s0+$0x2790];
	_ =	sdelay $0x4  }
0xc3: {  	[tilespmem:$0x9F10] =	vst v0  }
0xc4: {  	v0 =	vld [tilespmem:s0+$0x27A0];
	_ =	sdelay $0x4  }
0xc5: {  	[tilespmem:$0x9F20] =	vst v0  }
0xc6: {  	v0 =	vld [tilespmem:s0+$0x27B0];
	_ =	sdelay $0x4  }
0xc7: {  	[tilespmem:$0x9F30] =	vst v0  }
0xc8: {  	v0 =	vld [tilespmem:s0+$0x27C0];
	_ =	sdelay $0x4  }
0xc9: {  	[tilespmem:$0x9F40] =	vst v0  }
0xca: {  	_ =	swait.ge [sflag:s23], $0x2800  }
0xcb: {  	[sflag:s23] =	ssyncset.done $0x0  }
0xcc: {  	[sflag:s23] =	ssyncadd.s32 $0xFFFFD800  }
0xcd: {  	[spmem:s2] =	stream.indirect.scatter.add.f32 [tilespmem:s21], [sflag:$0x3], $0x80, s24, s20, $0xb8;
	[tilespmem:$0x1D880] =	vst v63  }
0xce: {  	_ =	swait.ge [sflag:s15], $0x2800  }
0xcf: {  	[sflag:s15] =	ssyncset.done $0x0  }
0xd0: {  	s31 =	simm.s32 $0xA0;
	[sflag:s15] =	ssyncadd.s32 $0xFFFFD800  }
0xd1: {  	[tilespmem:s21], [sflag:$0x1] =	stream.indirect.gather [hbm4b:s12+s20], $0x80, s31, s20, $0xb8;
	[tilespmem:$0x1D880] =	vst v63  }
0xd2: {  	v63 =	vld [tilespmem:s0+$0x27D0];
	_ =	sdelay $0x4  }
0xd3: {  	[tilespmem:$0x9F80] =	vst v63  }
0xd4: {  	v0 =	vld [tilespmem:s0+$0x27E0];
	_ =	sdelay $0x4  }
0xd5: {  	[tilespmem:$0x9F90] =	vst v0  }
0xd6: {  	v0 =	vld [tilespmem:s0+$0x27F0];
	_ =	sdelay $0x4  }
0xd7: {  	[tilespmem:$0x9FA0] =	vst v0  }
0xd8: {  	v0 =	vld [tilespmem:s0+$0x2800];
	_ =	sdelay $0x4  }
0xd9: {  	[tilespmem:$0x9FB0] =	vst v0  }
0xda: {  	v0 =	vld [tilespmem:s0+$0x2810];
	_ =	sdelay $0x4  }
0xdb: {  	[tilespmem:$0x9FC0] =	vst v0  }
0xdc: {  	_ =	swait.ge [sflag:s25], $0x2800  }
0xdd: {  	[sflag:s25] =	ssyncset.done $0x0  }
0xde: {  	[sflag:s25] =	ssyncadd.s32 $0xFFFFD800  }
0xdf: {  	[spmem:s2] =	stream.indirect.scatter.add.f32 [tilespmem:s22], [sflag:$0x3], $0x80, s26, s20, $0xb8;
	[tilespmem:$0x1D880] =	vst v63  }
0xe0: {  	_ =	swait.ge [sflag:s15], $0x2800  }
0xe1: {  	s29 =	simm.s32 $0xA0;
	s0 =	simm.s32 $0x500;
	[sflag:s15] =	ssyncset.done $0x0  }
.LBB2_4:
0xe2: {  	s1 =	sadd.s32 $0x50, s29  }
0xe3: {  	[sflag:s15] =	ssyncadd.s32 $0xFFFFD800;
	s31 =	smov.u32 s0;
	s30 =	sadd.s32 $0x280, s0  }
0xe4: {  	[tilespmem:s22], [sflag:$0x2] =	stream.indirect.gather [hbm4b:s12+s20], $0x80, s1, s20, $0xb8;
	[tilespmem:$0x1D880] =	vst v63  }
0xe5: {  	p1 =	sne.s32 s0, $0x9880;
	v0 =	vld [tilespmem:s29+$0x2780];
	_ =	sdelay $0x4  }
0xe6: {  	[tilespmem:$0x9F00] =	vst v0  }
0xe7: {  	v0 =	vld [tilespmem:s29+$0x2790];
	_ =	sdelay $0x4  }
0xe8: {  	[tilespmem:$0x9F10] =	vst v0  }
0xe9: {  	v0 =	vld [tilespmem:s29+$0x27A0];
	_ =	sdelay $0x4  }
0xea: {  	[tilespmem:$0x9F20] =	vst v0  }
0xeb: {  	v0 =	vld [tilespmem:s29+$0x27B0];
	_ =	sdelay $0x4  }
0xec: {  	[tilespmem:$0x9F30] =	vst v0  }
0xed: {  	v0 =	vld [tilespmem:s29+$0x27C0];
	_ =	sdelay $0x4  }
0xee: {  	[tilespmem:$0x9F40] =	vst v0  }
0xef: {  	_ =	swait.ge [sflag:s23], $0x2800  }
0xf0: {  	[sflag:s23] =	ssyncset.done $0x0  }
0xf1: {  	[sflag:s23] =	ssyncadd.s32 $0xFFFFD800  }
0xf2: {  	[spmem:s2] =	stream.indirect.scatter.add.f32 [tilespmem:s21], [sflag:$0x3], $0x80, s24, s20, $0xb8;
	[tilespmem:$0x1D880] =	vst v63  }
0xf3: {  	_ =	swait.ge [sflag:s15], $0x2800  }
0xf4: {  	[sflag:s15] =	ssyncset.done $0x0  }
0xf5: {  	s0 =	sadd.s32 $0xA0, s29;
	[sflag:s15] =	ssyncadd.s32 $0xFFFFD800  }
0xf6: {  	[tilespmem:s21], [sflag:$0x1] =	stream.indirect.gather [hbm4b:s12+s20], $0x80, s0, s20, $0xb8;
	[tilespmem:$0x1D880] =	vst v63  }
0xf7: {  	v0 =	vld [tilespmem:s29+$0x27D0];
	_ =	sdelay $0x4  }
0xf8: {  	[tilespmem:$0x9F80] =	vst v0  }
0xf9: {  	v0 =	vld [tilespmem:s29+$0x27E0];
	_ =	sdelay $0x4  }
0xfa: {  	[tilespmem:$0x9F90] =	vst v0  }
0xfb: {  	v0 =	vld [tilespmem:s29+$0x27F0];
	_ =	sdelay $0x4  }
0xfc: {  	[tilespmem:$0x9FA0] =	vst v0  }
0xfd: {  	v0 =	vld [tilespmem:s29+$0x2800];
	_ =	sdelay $0x4  }
0xfe: {  	[tilespmem:$0x9FB0] =	vst v0  }
0xff: {  	v0 =	vld [tilespmem:s29+$0x2810];
	_ =	sdelay $0x4  }
0x100: {  	[tilespmem:$0x9FC0] =	vst v0  }
0x101: {  	_ =	swait.ge [sflag:s25], $0x2800  }
.Ltmp1:
0x102: {  	[sflag:s25] =	ssyncset.done $0x0;
	(pc) =	sbr.rel @p1 .LBB2_4-.Ltmp1, $4  }
0x103: {  	[sflag:s25] =	ssyncadd.s32 $0xFFFFD800  }
0x104: {  	[spmem:s2] =	stream.indirect.scatter.add.f32 [tilespmem:s22], [sflag:$0x3], $0x80, s26, s20, $0xb8;
	[tilespmem:$0x1D880] =	vst v63  }
0x105: {  	_ =	swait.ge [sflag:s15], $0x2800  }
0x106: {  	s0 =	smov.u32 s30;
	s29 =	sshra.s32 s31, $0x2;
	[sflag:s15] =	ssyncset.done $0x0  }
0x107: {  	s0 =	sadd.s32 $0x50, s29;
	[sflag:s15] =	ssyncadd.s32 $0xFFFFD800  }
0x108: {  	[tilespmem:s22], [sflag:$0x2] =	stream.indirect.gather [hbm4b:s12+s20], $0x80, s0, s20, $0xb8;
	[tilespmem:$0x1D880] =	vst v63  }
0x109: {  	v0 =	vld [tilespmem:s29+$0x2780];
	_ =	sdelay $0x4  }
0x10a: {  	[tilespmem:$0x9F00] =	vst v0  }
0x10b: {  	v0 =	vld [tilespmem:s29+$0x2790];
	_ =	sdelay $0x4  }
0x10c: {  	[tilespmem:$0x9F10] =	vst v0  }
0x10d: {  	v0 =	vld [tilespmem:s29+$0x27A0];
	_ =	sdelay $0x4  }
0x10e: {  	[tilespmem:$0x9F20] =	vst v0  }
0x10f: {  	v0 =	vld [tilespmem:s29+$0x27B0];
	_ =	sdelay $0x4  }
0x110: {  	[tilespmem:$0x9F30] =	vst v0  }
0x111: {  	v0 =	vld [tilespmem:s29+$0x27C0];
	_ =	sdelay $0x4  }
0x112: {  	[tilespmem:$0x9F40] =	vst v0  }
0x113: {  	_ =	swait.ge [sflag:s23], $0x2800  }
0x114: {  	[sflag:s23] =	ssyncset.done $0x0  }
0x115: {  	[sflag:s23] =	ssyncadd.s32 $0xFFFFD800  }
0x116: {  	[spmem:s2] =	stream.indirect.scatter.add.f32 [tilespmem:s21], [sflag:$0x3], $0x80, s24, s20, $0xb8;
	[tilespmem:$0x1D880] =	vst v63  }
0x117: {  	_ =	swait.ge [sflag:s15], $0x2800  }
0x118: {  	[sflag:s15] =	ssyncset.done $0x0  }
0x119: {  	s30 =	sadd.s32 $0xA0, s29;
	[sflag:s15] =	ssyncadd.s32 $0xFFFFD800  }
0x11a: {  	[tilespmem:s21], [sflag:$0x1] =	stream.indirect.gather [hbm4b:s12+s20], $0x80, s30, s20, $0xb8;
	[tilespmem:$0x1D880] =	vst v63  }
0x11b: {  	v62 =	vld [tilespmem:s29+$0x27D0];
	_ =	sdelay $0x4  }
0x11c: {  	[tilespmem:$0x9F80] =	vst v62  }
0x11d: {  	v0 =	vld [tilespmem:s29+$0x27E0];
	_ =	sdelay $0x4  }
0x11e: {  	[tilespmem:$0x9F90] =	vst v0  }
0x11f: {  	v0 =	vld [tilespmem:s29+$0x27F0];
	_ =	sdelay $0x4  }
0x120: {  	[tilespmem:$0x9FA0] =	vst v0  }
0x121: {  	v0 =	vld [tilespmem:s29+$0x2800];
	_ =	sdelay $0x4  }
0x122: {  	[tilespmem:$0x9FB0] =	vst v0  }
0x123: {  	v0 =	vld [tilespmem:s29+$0x2810];
	_ =	sdelay $0x4  }
0x124: {  	[tilespmem:$0x9FC0] =	vst v0  }
0x125: {  	_ =	swait.ge [sflag:s25], $0x2800  }
0x126: {  	[sflag:s25] =	ssyncset.done $0x0  }
0x127: {  	[sflag:s25] =	ssyncadd.s32 $0xFFFFD800  }
0x128: {  	[spmem:s2] =	stream.indirect.scatter.add.f32 [tilespmem:s22], [sflag:$0x3], $0x80, s26, s20, $0xb8;
	[tilespmem:$0x1D880] =	vst v63  }
0x129: {  	_ =	swait.ge [sflag:s15], $0x2800  }
0x12a: {  	[sflag:s15] =	ssyncset.done $0x0  }
0x12b: {  	[sflag:s15] =	ssyncadd.s32 $0xFFFFD800  }
0x12c: {  	v63 =	vld [tilespmem:$0x4E40]  }
0x12d: {  	v1 =	vld [tilespmem:$0x4E50]  }
0x12e: {  	v2 =	vld [tilespmem:$0x4E60]  }
0x12f: {  	v3 =	vld [tilespmem:$0x4E70]  }
0x130: {  	v4 =	vld [tilespmem:$0x4E80]  }
0x131: {  	[tilespmem:$0x9F00] =	vst v63  }
0x132: {  	[tilespmem:$0x9F10] =	vst v1  }
0x133: {  	[tilespmem:$0x9F20] =	vst v2  }
0x134: {  	[tilespmem:$0x9F30] =	vst v3  }
0x135: {  	[tilespmem:$0x9F40] =	vst v4  }
0x136: {  	_ =	swait.ge [sflag:s23], $0x2800  }
0x137: {  	[sflag:s23] =	ssyncset.done $0x0  }
0x138: {  	[sflag:s23] =	ssyncadd.s32 $0xFFFFD800  }
0x139: {  	[spmem:s2] =	stream.indirect.scatter.add.f32 [tilespmem:s21], [sflag:$0x3], $0x80, s24, s20, $0xb8;
	[tilespmem:$0x1D880] =	vst v63  }
0x13a: {  	_ =	swait.ge [sflag:s15], $0x2800  }
0x13b: {  	[sflag:s15] =	ssyncset.done $0x0  }
0x13c: {  	[sflag:s15] =	ssyncadd.s32 $0xFFFFD800  }
0x13d: {  	s31 =	sadd.s32 s4, s13;
	[bflag:$0x0] =	sbarrier.arrive $0xFFFF  }
0x13e: {  	[hbm:s31], [sflag:s17] =	dma.local [spmem:s18], $0x2700  }
0x13f: {  	_ =	swait.ge [sflag:s15], $0x2700  }
0x140: {  	s28 =	sadd.s32 $0x1, s28;
	[sflag:s15] =	ssyncset.done $0x0  }
0x141: {  	s0 =	sadd.s32 @!p0 $0x27000, s13;
	p1 =	sne.s32 s28, s14;
	[sflag:s15] =	ssyncadd.s32 $0xFFFFD900  }
0x142: {  	[hbm:s0], [sflag:s17] =	dma.local @!p0 [spmem:s19], $0x100  }
.Ltmp2:
0x143: {  	_ = 	snop;
	(pc) =	sbr.rel @p1 .LBB2_1-.Ltmp2, $4  }
0x144: {  	s0 =	simm.s32 @!p0 $0x3  }
0x145: {  	_ =	swait.ge @!p0 [sflag:s0], $0x100  }
0x146: {  	[sflag:s0] =	ssyncset.done @!p0 $0x0  }
0x147: {  	[sflag:s0] =	ssyncadd.s32 @!p0 $0xFFFFFF00  }
0x148: {  	_ =	sfence.sel $0x180000  }
0x149: {  	[bflag:$0x0] =	sbarrier.arrive $0xFFFF  }
0x14a: {  	_ =	strace $0x9000004A  }
0x14b: {  	s0 =	stileid.u32;
	[bflag:$0x2] =	sbarrier.arrive $0xFFFF  }
0x14c: {  	p0 =	sne.s32 s0, $0x0;
	s0 =	rddreg [dreg:$0x2]  }
0x14d: {  	s0 =	sadd.s32 @!p0 $0x100000, s0  }
0x14e: {  	[sflag:s0] =	ssyncadd.tile.s32 @!p0 $0x1;
	_ =	shalt  }
.Lfunc_end2:
_tile_overlayer_lowered:
.L_overlay_start_2:
0x14f: {  	(tag) =	ssettag $0x2  }
0x150: {  	s0 =	rddreg [dreg:$0x0];
	s2 =	stileid.u32  }
0x151: {  	s1 =	rddreg [dreg:$0x1];
	p0 =	sne.s32 s2, $0x0  }
0x152: {  	s3 =	rddreg [dreg:$0x2];
	[bflag:$0x3] =	sbarrier.arrive $0xFFFF;
	s2 =	simm.s32 @!p0 $0x1C03  }
0x153: {  	[timem:s3], [sflag:s2] =	dma.local @!p0 [hbm:s0], s1  }
0x154: {  	s0 =	simm.s32 @!p0 $0x3  }
0x155: {  	_ =	swait.ge @!p0 [sflag:s0], s1  }
0x156: {  	s1 =	ssub.s32 @!p0 $0x0, s1;
	[sflag:s0] =	ssyncset.done @!p0 $0x0  }
0x157: {  	[sflag:s0] =	ssyncadd.s32 @!p0 s1  }
0x158: {  	[bflag:$0x3] =	sbarrier.arrive $0xFFFF  }
0x159: {  	_ =	shalt  }

</sc_bundles>
